<compile_context>
chip_gen: v7x
topology: tpu7x:2x2x1
jax: 0.10.2.dev20260603
libtpu: 0.0.44.dev20260713+nightly
codegen_flags: <defaults>
</compile_context>

<pallas_src>
import functools
import math

import jax
import jax.numpy as jnp
from jax import lax
from jax.experimental import pallas as pl
from jax.experimental.pallas import tpu as pltpu
from jax.experimental.pallas import tpu_sc as plsc

EMB = 64
SCALE = math.sqrt(EMB)

NC = 2
NS = 16
NW = NC * NS
LANES = 16

CH = 128
NBUF = 5


def _make_gather(B):
    assert B % (NW * CH) == 0
    b_per_w = B // NW
    nchunk = b_per_w // CH
    mesh = plsc.VectorSubcoreMesh(
        core_axis_name="c", subcore_axis_name="s", num_cores=NC, num_subcores=NS
    )

    @functools.partial(
        pl.kernel,
        out_type=jax.ShapeDtypeStruct((B, 2 * EMB), jnp.float32),
        mesh=mesh,
        compiler_params=pltpu.CompilerParams(
            use_tc_tiling_on_sc=False, needs_layout_passes=False),
        scratch_types=[
            pltpu.VMEM((nchunk, CH), jnp.int32),
            pltpu.VMEM((NBUF, CH, EMB), jnp.float32),
            pltpu.VMEM((NBUF, CH, EMB), jnp.float32),
            pltpu.SemaphoreType.DMA((NBUF,)),
            pltpu.SemaphoreType.DMA((NBUF,)),
        ],
    )
    def gather_kernel(tok_hbm, table_hbm, out_hbm, idx_v, gbuf, sbuf,
                      gsem, ssem):
        wid = lax.axis_index("s") * NC + lax.axis_index("c")
        base = wid * b_per_w
        pltpu.sync_copy(tok_hbm.at[wid], idx_v)

        def gather_copy(j, b):
            return pltpu.make_async_copy(
                table_hbm.at[idx_v.at[j]], gbuf.at[b], gsem.at[b])

        def store_copy(j, b):
            return pltpu.make_async_copy(
                sbuf.at[b],
                out_hbm.at[pl.ds(base + j * CH, CH), pl.ds(0, EMB)],
                ssem.at[b])

        for b in range(NBUF):
            gather_copy(b, b).start()

        @pl.loop(0, nchunk, step=NBUF)
        def _group(g):
            for b in range(NBUF):
                j = g + b
                gather_copy(j, b).wait()

                @pl.when(j >= NBUF)
                def _drain():
                    store_copy(j - NBUF, b).wait()

                src = gbuf.at[b]
                dst = sbuf.at[b]

                @plsc.parallel_loop(0, CH, unroll=4)
                def _scale(r):
                    for c in range(EMB // LANES):
                        sl = pl.ds(c * LANES, LANES)
                        dst[r, sl] = src[r, sl] * SCALE

                nj = j + NBUF

                @pl.when(nj < nchunk)
                def _prefetch():
                    gather_copy(nj, b).start()

                store_copy(j, b).start()

        for b in range(NBUF):
            store_copy(nchunk - NBUF + b, b).wait()

    return gather_kernel


def kernel(tokens, table):
    R, T = tokens.shape
    B = R * T
    tok = tokens.astype(jnp.int32).reshape(NW, B // NW // CH, CH)
    padded = _make_gather(B)(tok, table)
    return padded.reshape(R, T, 2 * EMB)[:, :, :EMB]

# --- scband reference (transcript-rebuilt; emitter-appended) ---
"""Pipeline reference for scband-token-embedding-23132693856439 (READ-ONLY COPY).

The authoritative reference and input builder live on the scoring server;
editing this copy changes nothing except your own understanding.
"""

import jax, jax.numpy as jnp
import numpy as np
import math

VOCAB = 1000000
EMB = 64

def setup_inputs(seed: int = 0) -> dict:
    key = jax.random.key(seed)
    k1, k2 = jax.random.split(key)
    tokens = jax.random.randint(k1, (4096, 200), 0, VOCAB, dtype=jnp.int64 if jax.config.jax_enable_x64 else jnp.int32)
    table = jax.random.normal(k2, (VOCAB, EMB), dtype=jnp.float32)
    return {"tokens": tokens, "table": table}

def reference(tokens, table):
    # TokenEmbedding.forward: embedding(tokens.long()) * sqrt(emb_size)
    emb = jnp.take(table, tokens, axis=0)
    return emb * math.sqrt(EMB)

if __name__ == "__main__":
    import jax
    _d = setup_inputs()
    print(jax.jit(kernel)(*tuple(_d.values())))

</pallas_src>

<mosaic_0001>
#map = affine_map<(d0, d1) -> (0, 0, 0)>
#map1 = affine_map<(d0, d1) -> (0, 0)>
module attributes {stable_mosaic.version = 14 : i64} {
  func.func @gather_kernel(%arg0: i32, %arg1: i32, %arg2: memref<32x200x128xi32, #tpu.memory_space<hbm>>, %arg3: memref<1000000x64xf32, #tpu.memory_space<hbm>>, %arg4: memref<819200x128xf32, #tpu.memory_space<hbm>>, %arg5: memref<200x128xi32, #tpu.memory_space<vmem>>, %arg6: memref<5x128x64xf32, #tpu.memory_space<vmem>>, %arg7: memref<5x128x64xf32, #tpu.memory_space<vmem>>, %arg8: memref<5x!tpu.dma_semaphore, #tpu.memory_space<semaphore_mem>>, %arg9: memref<5x!tpu.dma_semaphore, #tpu.memory_space<semaphore_mem>>) attributes {dimension_semantics = [#tpu.dimension_semantics<core_parallel>, #tpu.dimension_semantics<subcore_parallel>], iteration_bounds = array<i64: 2, 16>, scalar_prefetch = 0 : i64, scratch_operands = 5 : i64, tpu.core_type = #tpu.core_type<sc_vector_subcore>, window_params = [{transform_indices = #map}, {transform_indices = #map1}, {transform_indices = #map1}]} {
    %mul3A = arith.constant 2 : i32
    %mul3A_0 = arith.muli %arg1, %mul3A : i32
    %add3A = arith.addi %mul3A_0, %arg0 : i32
    %mul3A_1 = arith.constant 25600 : i32
    %mul3A_2 = arith.muli %add3A, %mul3A_1 : i32
    "tpu.region"() ({
      %run_scoped3A = tpu.sem_alloc : memref<!tpu.dma_semaphore, #tpu.memory_space<semaphore_mem>>
      %dma_start3A_170 = arith.constant 0 : i32
      %dma_start3A_171 = arith.constant 0 : i32
      %dma_start3A_172 = tpu.memref_slice %arg2[%add3A, %dma_start3A_170, %dma_start3A_171] : memref<32x200x128xi32, #tpu.memory_space<hbm>> -> memref<1x200x128xi32, #tpu.memory_space<hbm>>
      %dma_start3A_173 = tpu.memref_squeeze %dma_start3A_172 : memref<1x200x128xi32, #tpu.memory_space<hbm>> -> memref<200x128xi32, #tpu.memory_space<hbm>>
      %dma_start3A_174 = arith.constant 0 : i32
      %dma_start3A_175 = arith.constant 0 : i32
      %dma_start3A_176 = tpu.memref_slice %arg2[%add3A, %dma_start3A_174, %dma_start3A_175] : memref<32x200x128xi32, #tpu.memory_space<hbm>> -> memref<1x200x128xi32, #tpu.memory_space<hbm>>
      %dma_start3A_177 = tpu.memref_squeeze %dma_start3A_176 : memref<1x200x128xi32, #tpu.memory_space<hbm>> -> memref<200x128xi32, #tpu.memory_space<hbm>>
      tpu.enqueue_dma source(%dma_start3A_177 : memref<200x128xi32, #tpu.memory_space<hbm>>) target(%arg5 : memref<200x128xi32, #tpu.memory_space<vmem>>) target_semaphore(%run_scoped3A : memref<!tpu.dma_semaphore, #tpu.memory_space<semaphore_mem>>)
      %dma_wait3A_178 = arith.constant 0 : i32
      %dma_wait3A_179 = arith.constant 0 : i32
      %dma_wait3A_180 = tpu.memref_slice %arg2[%add3A, %dma_wait3A_178, %dma_wait3A_179] : memref<32x200x128xi32, #tpu.memory_space<hbm>> -> memref<1x200x128xi32, #tpu.memory_space<hbm>>
      %dma_wait3A_181 = tpu.memref_squeeze %dma_wait3A_180 : memref<1x200x128xi32, #tpu.memory_space<hbm>> -> memref<200x128xi32, #tpu.memory_space<hbm>>
      %dma_wait3A_182 = arith.constant 0 : i32
      %dma_wait3A_183 = arith.constant 0 : i32
      %dma_wait3A_184 = tpu.memref_slice %arg2[%add3A, %dma_wait3A_182, %dma_wait3A_183] : memref<32x200x128xi32, #tpu.memory_space<hbm>> -> memref<1x200x128xi32, #tpu.memory_space<hbm>>
      %dma_wait3A_185 = tpu.memref_squeeze %dma_wait3A_184 : memref<1x200x128xi32, #tpu.memory_space<hbm>> -> memref<200x128xi32, #tpu.memory_space<hbm>>
      tpu.wait_dma2 semaphore(%run_scoped3A : memref<!tpu.dma_semaphore, #tpu.memory_space<semaphore_mem>>) src(%dma_wait3A_185 : memref<200x128xi32, #tpu.memory_space<hbm>>) dst(%arg5 : memref<200x128xi32, #tpu.memory_space<vmem>>)
      tpu.yield
    }) : () -> ()
    %dma_start3A = arith.constant 0 : i32
    %dma_start3A_3 = arith.constant 0 : i32
    %dma_start3A_4 = arith.constant 0 : i32
    %dma_start3A_5 = arith.constant 0 : i32
    %dma_start3A_6 = arith.constant 0 : i32
    %dma_start3A_7 = tpu.memref_slice %arg6[%dma_start3A_3, %dma_start3A_5, %dma_start3A_6] : memref<5x128x64xf32, #tpu.memory_space<vmem>> -> memref<1x128x64xf32, #tpu.memory_space<vmem>>
    %dma_start3A_8 = tpu.memref_squeeze %dma_start3A_7 : memref<1x128x64xf32, #tpu.memory_space<vmem>> -> memref<128x64xf32, #tpu.memory_space<vmem>>
    %dma_start3A_9 = arith.constant 0 : i32
    %dma_start3A_10 = tpu.memref_slice %arg5[%dma_start3A, %dma_start3A_9] : memref<200x128xi32, #tpu.memory_space<vmem>> -> memref<1x128xi32, #tpu.memory_space<vmem>>
    %dma_start3A_11 = tpu.memref_squeeze %dma_start3A_10 : memref<1x128xi32, #tpu.memory_space<vmem>> -> memref<128xi32, #tpu.memory_space<vmem>>
    %dma_start3A_12 = arith.constant 0 : i32
    %dma_start3A_13 = arith.constant 0 : i32
    %dma_start3A_14 = tpu.memref_slice %arg3[%dma_start3A_12, %dma_start3A_13] : memref<1000000x64xf32, #tpu.memory_space<hbm>> -> memref<1000000x64xf32, #tpu.memory_space<hbm>>
    %dma_start3A_15 = tpu.memref_slice %arg8[%dma_start3A_4] : memref<5x!tpu.dma_semaphore, #tpu.memory_space<semaphore_mem>> -> memref<1x!tpu.dma_semaphore, #tpu.memory_space<semaphore_mem>>
    %dma_start3A_16 = tpu.memref_squeeze %dma_start3A_15 : memref<1x!tpu.dma_semaphore, #tpu.memory_space<semaphore_mem>> -> memref<!tpu.dma_semaphore, #tpu.memory_space<semaphore_mem>>
    tpu.enqueue_indirect_dma source(%dma_start3A_14 : memref<1000000x64xf32, #tpu.memory_space<hbm>>) target(%dma_start3A_8 : memref<128x64xf32, #tpu.memory_space<vmem>>) offsets(%dma_start3A_11 : memref<128xi32, #tpu.memory_space<vmem>>) semaphore(%dma_start3A_16 : memref<!tpu.dma_semaphore, #tpu.memory_space<semaphore_mem>>)
    %dma_start3A_17 = arith.constant 1 : i32
    %dma_start3A_18 = arith.constant 1 : i32
    %dma_start3A_19 = arith.constant 1 : i32
    %dma_start3A_20 = arith.constant 0 : i32
    %dma_start3A_21 = arith.constant 0 : i32
    %dma_start3A_22 = tpu.memref_slice %arg6[%dma_start3A_18, %dma_start3A_20, %dma_start3A_21] : memref<5x128x64xf32, #tpu.memory_space<vmem>> -> memref<1x128x64xf32, #tpu.memory_space<vmem>>
    %dma_start3A_23 = tpu.memref_squeeze %dma_start3A_22 : memref<1x128x64xf32, #tpu.memory_space<vmem>> -> memref<128x64xf32, #tpu.memory_space<vmem>>
    %dma_start3A_24 = arith.constant 0 : i32
    %dma_start3A_25 = tpu.memref_slice %arg5[%dma_start3A_17, %dma_start3A_24] : memref<200x128xi32, #tpu.memory_space<vmem>> -> memref<1x128xi32, #tpu.memory_space<vmem>>
    %dma_start3A_26 = tpu.memref_squeeze %dma_start3A_25 : memref<1x128xi32, #tpu.memory_space<vmem>> -> memref<128xi32, #tpu.memory_space<vmem>>
    %dma_start3A_27 = arith.constant 0 : i32
    %dma_start3A_28 = arith.constant 0 : i32
    %dma_start3A_29 = tpu.memref_slice %arg3[%dma_start3A_27, %dma_start3A_28] : memref<1000000x64xf32, #tpu.memory_space<hbm>> -> memref<1000000x64xf32, #tpu.memory_space<hbm>>
    %dma_start3A_30 = tpu.memref_slice %arg8[%dma_start3A_19] : memref<5x!tpu.dma_semaphore, #tpu.memory_space<semaphore_mem>> -> memref<1x!tpu.dma_semaphore, #tpu.memory_space<semaphore_mem>>
    %dma_start3A_31 = tpu.memref_squeeze %dma_start3A_30 : memref<1x!tpu.dma_semaphore, #tpu.memory_space<semaphore_mem>> -> memref<!tpu.dma_semaphore, #tpu.memory_space<semaphore_mem>>
    tpu.enqueue_indirect_dma source(%dma_start3A_29 : memref<1000000x64xf32, #tpu.memory_space<hbm>>) target(%dma_start3A_23 : memref<128x64xf32, #tpu.memory_space<vmem>>) offsets(%dma_start3A_26 : memref<128xi32, #tpu.memory_space<vmem>>) semaphore(%dma_start3A_31 : memref<!tpu.dma_semaphore, #tpu.memory_space<semaphore_mem>>)
    %dma_start3A_32 = arith.constant 2 : i32
    %dma_start3A_33 = arith.constant 2 : i32
    %dma_start3A_34 = arith.constant 2 : i32
    %dma_start3A_35 = arith.constant 0 : i32
    %dma_start3A_36 = arith.constant 0 : i32
    %dma_start3A_37 = tpu.memref_slice %arg6[%dma_start3A_33, %dma_start3A_35, %dma_start3A_36] : memref<5x128x64xf32, #tpu.memory_space<vmem>> -> memref<1x128x64xf32, #tpu.memory_space<vmem>>
    %dma_start3A_38 = tpu.memref_squeeze %dma_start3A_37 : memref<1x128x64xf32, #tpu.memory_space<vmem>> -> memref<128x64xf32, #tpu.memory_space<vmem>>
    %dma_start3A_39 = arith.constant 0 : i32
    %dma_start3A_40 = tpu.memref_slice %arg5[%dma_start3A_32, %dma_start3A_39] : memref<200x128xi32, #tpu.memory_space<vmem>> -> memref<1x128xi32, #tpu.memory_space<vmem>>
    %dma_start3A_41 = tpu.memref_squeeze %dma_start3A_40 : memref<1x128xi32, #tpu.memory_space<vmem>> -> memref<128xi32, #tpu.memory_space<vmem>>
    %dma_start3A_42 = arith.constant 0 : i32
    %dma_start3A_43 = arith.constant 0 : i32
    %dma_start3A_44 = tpu.memref_slice %arg3[%dma_start3A_42, %dma_start3A_43] : memref<1000000x64xf32, #tpu.memory_space<hbm>> -> memref<1000000x64xf32, #tpu.memory_space<hbm>>
    %dma_start3A_45 = tpu.memref_slice %arg8[%dma_start3A_34] : memref<5x!tpu.dma_semaphore, #tpu.memory_space<semaphore_mem>> -> memref<1x!tpu.dma_semaphore, #tpu.memory_space<semaphore_mem>>
    %dma_start3A_46 = tpu.memref_squeeze %dma_start3A_45 : memref<1x!tpu.dma_semaphore, #tpu.memory_space<semaphore_mem>> -> memref<!tpu.dma_semaphore, #tpu.memory_space<semaphore_mem>>
    tpu.enqueue_indirect_dma source(%dma_start3A_44 : memref<1000000x64xf32, #tpu.memory_space<hbm>>) target(%dma_start3A_38 : memref<128x64xf32, #tpu.memory_space<vmem>>) offsets(%dma_start3A_41 : memref<128xi32, #tpu.memory_space<vmem>>) semaphore(%dma_start3A_46 : memref<!tpu.dma_semaphore, #tpu.memory_space<semaphore_mem>>)
    %dma_start3A_47 = arith.constant 3 : i32
    %dma_start3A_48 = arith.constant 3 : i32
    %dma_start3A_49 = arith.constant 3 : i32
    %dma_start3A_50 = arith.constant 0 : i32
    %dma_start3A_51 = arith.constant 0 : i32
    %dma_start3A_52 = tpu.memref_slice %arg6[%dma_start3A_48, %dma_start3A_50, %dma_start3A_51] : memref<5x128x64xf32, #tpu.memory_space<vmem>> -> memref<1x128x64xf32, #tpu.memory_space<vmem>>
    %dma_start3A_53 = tpu.memref_squeeze %dma_start3A_52 : memref<1x128x64xf32, #tpu.memory_space<vmem>> -> memref<128x64xf32, #tpu.memory_space<vmem>>
    %dma_start3A_54 = arith.constant 0 : i32
    %dma_start3A_55 = tpu.memref_slice %arg5[%dma_start3A_47, %dma_start3A_54] : memref<200x128xi32, #tpu.memory_space<vmem>> -> memref<1x128xi32, #tpu.memory_space<vmem>>
    %dma_start3A_56 = tpu.memref_squeeze %dma_start3A_55 : memref<1x128xi32, #tpu.memory_space<vmem>> -> memref<128xi32, #tpu.memory_space<vmem>>
    %dma_start3A_57 = arith.constant 0 : i32
    %dma_start3A_58 = arith.constant 0 : i32
    %dma_start3A_59 = tpu.memref_slice %arg3[%dma_start3A_57, %dma_start3A_58] : memref<1000000x64xf32, #tpu.memory_space<hbm>> -> memref<1000000x64xf32, #tpu.memory_space<hbm>>
    %dma_start3A_60 = tpu.memref_slice %arg8[%dma_start3A_49] : memref<5x!tpu.dma_semaphore, #tpu.memory_space<semaphore_mem>> -> memref<1x!tpu.dma_semaphore, #tpu.memory_space<semaphore_mem>>
    %dma_start3A_61 = tpu.memref_squeeze %dma_start3A_60 : memref<1x!tpu.dma_semaphore, #tpu.memory_space<semaphore_mem>> -> memref<!tpu.dma_semaphore, #tpu.memory_space<semaphore_mem>>
    tpu.enqueue_indirect_dma source(%dma_start3A_59 : memref<1000000x64xf32, #tpu.memory_space<hbm>>) target(%dma_start3A_53 : memref<128x64xf32, #tpu.memory_space<vmem>>) offsets(%dma_start3A_56 : memref<128xi32, #tpu.memory_space<vmem>>) semaphore(%dma_start3A_61 : memref<!tpu.dma_semaphore, #tpu.memory_space<semaphore_mem>>)
    %dma_start3A_62 = arith.constant 4 : i32
    %dma_start3A_63 = arith.constant 4 : i32
    %dma_start3A_64 = arith.constant 4 : i32
    %dma_start3A_65 = arith.constant 0 : i32
    %dma_start3A_66 = arith.constant 0 : i32
    %dma_start3A_67 = tpu.memref_slice %arg6[%dma_start3A_63, %dma_start3A_65, %dma_start3A_66] : memref<5x128x64xf32, #tpu.memory_space<vmem>> -> memref<1x128x64xf32, #tpu.memory_space<vmem>>
    %dma_start3A_68 = tpu.memref_squeeze %dma_start3A_67 : memref<1x128x64xf32, #tpu.memory_space<vmem>> -> memref<128x64xf32, #tpu.memory_space<vmem>>
    %dma_start3A_69 = arith.constant 0 : i32
    %dma_start3A_70 = tpu.memref_slice %arg5[%dma_start3A_62, %dma_start3A_69] : memref<200x128xi32, #tpu.memory_space<vmem>> -> memref<1x128xi32, #tpu.memory_space<vmem>>
    %dma_start3A_71 = tpu.memref_squeeze %dma_start3A_70 : memref<1x128xi32, #tpu.memory_space<vmem>> -> memref<128xi32, #tpu.memory_space<vmem>>
    %dma_start3A_72 = arith.constant 0 : i32
    %dma_start3A_73 = arith.constant 0 : i32
    %dma_start3A_74 = tpu.memref_slice %arg3[%dma_start3A_72, %dma_start3A_73] : memref<1000000x64xf32, #tpu.memory_space<hbm>> -> memref<1000000x64xf32, #tpu.memory_space<hbm>>
    %dma_start3A_75 = tpu.memref_slice %arg8[%dma_start3A_64] : memref<5x!tpu.dma_semaphore, #tpu.memory_space<semaphore_mem>> -> memref<1x!tpu.dma_semaphore, #tpu.memory_space<semaphore_mem>>
    %dma_start3A_76 = tpu.memref_squeeze %dma_start3A_75 : memref<1x!tpu.dma_semaphore, #tpu.memory_space<semaphore_mem>> -> memref<!tpu.dma_semaphore, #tpu.memory_space<semaphore_mem>>
    tpu.enqueue_indirect_dma source(%dma_start3A_74 : memref<1000000x64xf32, #tpu.memory_space<hbm>>) target(%dma_start3A_68 : memref<128x64xf32, #tpu.memory_space<vmem>>) offsets(%dma_start3A_71 : memref<128xi32, #tpu.memory_space<vmem>>) semaphore(%dma_start3A_76 : memref<!tpu.dma_semaphore, #tpu.memory_space<semaphore_mem>>)
    %scan3A = arith.constant 0 : i32
    %scan3A_77 = arith.constant 40 : i32
    %scan3A_78 = arith.addi %scan3A, %scan3A_77 : i32
    %scan3A_79 = arith.constant 1 : i32
    scf.for %scan3A_170 = %scan3A to %scan3A_78 step %scan3A_79  : i32 {
      %mul3A_171 = arith.constant 5 : i32
      %mul3A_172 = arith.muli %scan3A_170, %mul3A_171 : i32
      %add3A_173 = arith.constant 0 : i32
      %add3A_174 = arith.addi %add3A_173, %mul3A_172 : i32
      %add3A_175 = arith.constant 0 : i32
      %add3A_176 = arith.addi %add3A_174, %add3A_175 : i32
      %dma_wait3A_177 = arith.constant 0 : i32
      %dma_wait3A_178 = arith.constant 0 : i32
      %dma_wait3A_179 = arith.constant 0 : i32
      %dma_wait3A_180 = arith.constant 0 : i32
      %dma_wait3A_181 = tpu.memref_slice %arg6[%dma_wait3A_177, %dma_wait3A_179, %dma_wait3A_180] : memref<5x128x64xf32, #tpu.memory_space<vmem>> -> memref<1x128x64xf32, #tpu.memory_space<vmem>>
      %dma_wait3A_182 = tpu.memref_squeeze %dma_wait3A_181 : memref<1x128x64xf32, #tpu.memory_space<vmem>> -> memref<128x64xf32, #tpu.memory_space<vmem>>
      %dma_wait3A_183 = arith.constant 0 : i32
      %dma_wait3A_184 = tpu.memref_slice %arg5[%add3A_176, %dma_wait3A_183] : memref<200x128xi32, #tpu.memory_space<vmem>> -> memref<1x128xi32, #tpu.memory_space<vmem>>
      %dma_wait3A_185 = tpu.memref_squeeze %dma_wait3A_184 : memref<1x128xi32, #tpu.memory_space<vmem>> -> memref<128xi32, #tpu.memory_space<vmem>>
      %dma_wait3A_186 = arith.constant 0 : i32
      %dma_wait3A_187 = arith.constant 0 : i32
      %dma_wait3A_188 = tpu.memref_slice %arg3[%dma_wait3A_186, %dma_wait3A_187] : memref<1000000x64xf32, #tpu.memory_space<hbm>> -> memref<1000000x64xf32, #tpu.memory_space<hbm>>
      %dma_wait3A_189 = tpu.memref_slice %arg8[%dma_wait3A_178] : memref<5x!tpu.dma_semaphore, #tpu.memory_space<semaphore_mem>> -> memref<1x!tpu.dma_semaphore, #tpu.memory_space<semaphore_mem>>
      %dma_wait3A_190 = tpu.memref_squeeze %dma_wait3A_189 : memref<1x!tpu.dma_semaphore, #tpu.memory_space<semaphore_mem>> -> memref<!tpu.dma_semaphore, #tpu.memory_space<semaphore_mem>>
      tpu.wait_indirect_dma semaphore(%dma_wait3A_190 : memref<!tpu.dma_semaphore, #tpu.memory_space<semaphore_mem>>) src(%dma_wait3A_188 : memref<1000000x64xf32, #tpu.memory_space<hbm>>) dst(%dma_wait3A_182 : memref<128x64xf32, #tpu.memory_space<vmem>>)
      %ge3A = arith.constant 5 : i32
      %ge3A_191 = arith.cmpi sge, %add3A_176, %ge3A : i32
      %convert_element_type3A = arith.extui %ge3A_191 : i1 to i32
      %cond3A = arith.constant 0 : i32
      %cond3A_192 = arith.cmpi ne, %convert_element_type3A, %cond3A : i32
      scf.if %cond3A_192 {
        %sub3A = arith.constant 5 : i32
        %sub3A_430 = arith.subi %add3A_176, %sub3A : i32
        %mul3A_431 = arith.constant 128 : i32
        %mul3A_432 = arith.muli %sub3A_430, %mul3A_431 : i32
        %add3A_433 = arith.addi %mul3A_2, %mul3A_432 : i32
        %dma_wait3A_434 = arith.constant 0 : i32
        %dma_wait3A_435 = arith.constant 0 : i32
        %dma_wait3A_436 = arith.constant 0 : i32
        %dma_wait3A_437 = arith.constant 0 : i32
        %dma_wait3A_438 = tpu.memref_slice %arg7[%dma_wait3A_434, %dma_wait3A_436, %dma_wait3A_437] : memref<5x128x64xf32, #tpu.memory_space<vmem>> -> memref<1x128x64xf32, #tpu.memory_space<vmem>>
        %dma_wait3A_439 = tpu.memref_squeeze %dma_wait3A_438 : memref<1x128x64xf32, #tpu.memory_space<vmem>> -> memref<128x64xf32, #tpu.memory_space<vmem>>
        %dma_wait3A_440 = arith.constant 0 : i32
        %dma_wait3A_441 = tpu.memref_slice %arg4[%add3A_433, %dma_wait3A_440] : memref<819200x128xf32, #tpu.memory_space<hbm>> -> memref<128x64xf32, #tpu.memory_space<hbm>>
        %dma_wait3A_442 = tpu.memref_slice %arg9[%dma_wait3A_435] : memref<5x!tpu.dma_semaphore, #tpu.memory_space<semaphore_mem>> -> memref<1x!tpu.dma_semaphore, #tpu.memory_space<semaphore_mem>>
        %dma_wait3A_443 = tpu.memref_squeeze %dma_wait3A_442 : memref<1x!tpu.dma_semaphore, #tpu.memory_space<semaphore_mem>> -> memref<!tpu.dma_semaphore, #tpu.memory_space<semaphore_mem>>
        %dma_wait3A_444 = arith.constant 0 : i32
        %dma_wait3A_445 = tpu.memref_slice %arg4[%add3A_433, %dma_wait3A_444] : memref<819200x128xf32, #tpu.memory_space<hbm>> -> memref<128x64xf32, #tpu.memory_space<hbm>>
        %dma_wait3A_446 = arith.constant 0 : i32
        %dma_wait3A_447 = arith.constant 0 : i32
        %dma_wait3A_448 = tpu.memref_slice %arg7[%dma_wait3A_434, %dma_wait3A_446, %dma_wait3A_447] : memref<5x128x64xf32, #tpu.memory_space<vmem>> -> memref<1x128x64xf32, #tpu.memory_space<vmem>>
        %dma_wait3A_449 = tpu.memref_squeeze %dma_wait3A_448 : memref<1x128x64xf32, #tpu.memory_space<vmem>> -> memref<128x64xf32, #tpu.memory_space<vmem>>
        tpu.wait_dma2 semaphore(%dma_wait3A_443 : memref<!tpu.dma_semaphore, #tpu.memory_space<semaphore_mem>>) src(%dma_wait3A_449 : memref<128x64xf32, #tpu.memory_space<vmem>>) dst(%dma_wait3A_445 : memref<128x64xf32, #tpu.memory_space<hbm>>)
      } else {
      }
      %parallel_loop3A = arith.constant 0 : i32
      %parallel_loop3A_193 = arith.constant 128 : i32
      %parallel_loop3A_194 = arith.constant 1 : i32
      %parallel_loop3A_195 = arith.constant 0 : i32
      %parallel_loop3A_196 = arith.constant 0 : i32
      scf.for %parallel_loop3A_430 = %parallel_loop3A to %parallel_loop3A_193 step %parallel_loop3A_194  : i32 {
        %parallel_loop3A_431 = arith.constant 0 : i32
        %parallel_loop3A_432 = arith.constant 0 : i32
        %parallel_loop3A_433 = tpu.memref_slice %arg6[%parallel_loop3A_195, %parallel_loop3A_431, %parallel_loop3A_432] : memref<5x128x64xf32, #tpu.memory_space<vmem>> -> memref<1x128x64xf32, #tpu.memory_space<vmem>>
        %parallel_loop3A_434 = tpu.memref_squeeze %parallel_loop3A_433 : memref<1x128x64xf32, #tpu.memory_space<vmem>> -> memref<128x64xf32, #tpu.memory_space<vmem>>
        %parallel_loop3A_435 = arith.index_cast %parallel_loop3A_430 : i32 to index
        %parallel_loop3A_436 = arith.constant 0 : index
        %parallel_loop3A_437 = tpu.vector_load %parallel_loop3A_434[%parallel_loop3A_435, %parallel_loop3A_436] {strides = array<i32>} : memref<128x64xf32, #tpu.memory_space<vmem>>, vector<16xf32>,
        %parallel_loop3A_438 = arith.constant 8.000000e+00 : f32
        %parallel_loop3A_439 = vector.broadcast %parallel_loop3A_438 : f32 to vector<16xf32>
        %parallel_loop3A_440 = arith.mulf %parallel_loop3A_437, %parallel_loop3A_439 : vector<16xf32>
        %parallel_loop3A_441 = arith.constant 0 : i32
        %parallel_loop3A_442 = arith.constant 0 : i32
        %parallel_loop3A_443 = tpu.memref_slice %arg7[%parallel_loop3A_196, %parallel_loop3A_441, %parallel_loop3A_442] : memref<5x128x64xf32, #tpu.memory_space<vmem>> -> memref<1x128x64xf32, #tpu.memory_space<vmem>>
        %parallel_loop3A_444 = tpu.memref_squeeze %parallel_loop3A_443 : memref<1x128x64xf32, #tpu.memory_space<vmem>> -> memref<128x64xf32, #tpu.memory_space<vmem>>
        %parallel_loop3A_445 = arith.index_cast %parallel_loop3A_430 : i32 to index
        %parallel_loop3A_446 = arith.constant 0 : index
        %parallel_loop3A_447 = tpu.vector_load %parallel_loop3A_444[%parallel_loop3A_445, %parallel_loop3A_446] {strides = array<i32>} : memref<128x64xf32, #tpu.memory_space<vmem>>, vector<16xf32>,
        tpu.vector_store %parallel_loop3A_444[%parallel_loop3A_445, %parallel_loop3A_446], %parallel_loop3A_440 {strides = array<i32>} : memref<128x64xf32, #tpu.memory_space<vmem>>, vector<16xf32>,
        %parallel_loop3A_448 = arith.constant 0 : i32
        %parallel_loop3A_449 = arith.constant 0 : i32
        %parallel_loop3A_450 = tpu.memref_slice %arg6[%parallel_loop3A_195, %parallel_loop3A_448, %parallel_loop3A_449] : memref<5x128x64xf32, #tpu.memory_space<vmem>> -> memref<1x128x64xf32, #tpu.memory_space<vmem>>
        %parallel_loop3A_451 = tpu.memref_squeeze %parallel_loop3A_450 : memref<1x128x64xf32, #tpu.memory_space<vmem>> -> memref<128x64xf32, #tpu.memory_space<vmem>>
        %parallel_loop3A_452 = arith.index_cast %parallel_loop3A_430 : i32 to index
        %parallel_loop3A_453 = arith.constant 16 : index
        %parallel_loop3A_454 = tpu.vector_load %parallel_loop3A_451[%parallel_loop3A_452, %parallel_loop3A_453] {strides = array<i32>} : memref<128x64xf32, #tpu.memory_space<vmem>>, vector<16xf32>,
        %parallel_loop3A_455 = arith.constant 8.000000e+00 : f32
        %parallel_loop3A_456 = vector.broadcast %parallel_loop3A_455 : f32 to vector<16xf32>
        %parallel_loop3A_457 = arith.mulf %parallel_loop3A_454, %parallel_loop3A_456 : vector<16xf32>
        %parallel_loop3A_458 = arith.constant 0 : i32
        %parallel_loop3A_459 = arith.constant 0 : i32
        %parallel_loop3A_460 = tpu.memref_slice %arg7[%parallel_loop3A_196, %parallel_loop3A_458, %parallel_loop3A_459] : memref<5x128x64xf32, #tpu.memory_space<vmem>> -> memref<1x128x64xf32, #tpu.memory_space<vmem>>
        %parallel_loop3A_461 = tpu.memref_squeeze %parallel_loop3A_460 : memref<1x128x64xf32, #tpu.memory_space<vmem>> -> memref<128x64xf32, #tpu.memory_space<vmem>>
        %parallel_loop3A_462 = arith.index_cast %parallel_loop3A_430 : i32 to index
        %parallel_loop3A_463 = arith.constant 16 : index
        %parallel_loop3A_464 = tpu.vector_load %parallel_loop3A_461[%parallel_loop3A_462, %parallel_loop3A_463] {strides = array<i32>} : memref<128x64xf32, #tpu.memory_space<vmem>>, vector<16xf32>,
        tpu.vector_store %parallel_loop3A_461[%parallel_loop3A_462, %parallel_loop3A_463], %parallel_loop3A_457 {strides = array<i32>} : memref<128x64xf32, #tpu.memory_space<vmem>>, vector<16xf32>,
        %parallel_loop3A_465 = arith.constant 0 : i32
        %parallel_loop3A_466 = arith.constant 0 : i32
        %parallel_loop3A_467 = tpu.memref_slice %arg6[%parallel_loop3A_195, %parallel_loop3A_465, %parallel_loop3A_466] : memref<5x128x64xf32, #tpu.memory_space<vmem>> -> memref<1x128x64xf32, #tpu.memory_space<vmem>>
        %parallel_loop3A_468 = tpu.memref_squeeze %parallel_loop3A_467 : memref<1x128x64xf32, #tpu.memory_space<vmem>> -> memref<128x64xf32, #tpu.memory_space<vmem>>
        %parallel_loop3A_469 = arith.index_cast %parallel_loop3A_430 : i32 to index
        %parallel_loop3A_470 = arith.constant 32 : index
        %parallel_loop3A_471 = tpu.vector_load %parallel_loop3A_468[%parallel_loop3A_469, %parallel_loop3A_470] {strides = array<i32>} : memref<128x64xf32, #tpu.memory_space<vmem>>, vector<16xf32>,
        %parallel_loop3A_472 = arith.constant 8.000000e+00 : f32
        %parallel_loop3A_473 = vector.broadcast %parallel_loop3A_472 : f32 to vector<16xf32>
        %parallel_loop3A_474 = arith.mulf %parallel_loop3A_471, %parallel_loop3A_473 : vector<16xf32>
        %parallel_loop3A_475 = arith.constant 0 : i32
        %parallel_loop3A_476 = arith.constant 0 : i32
        %parallel_loop3A_477 = tpu.memref_slice %arg7[%parallel_loop3A_196, %parallel_loop3A_475, %parallel_loop3A_476] : memref<5x128x64xf32, #tpu.memory_space<vmem>> -> memref<1x128x64xf32, #tpu.memory_space<vmem>>
        %parallel_loop3A_478 = tpu.memref_squeeze %parallel_loop3A_477 : memref<1x128x64xf32, #tpu.memory_space<vmem>> -> memref<128x64xf32, #tpu.memory_space<vmem>>
        %parallel_loop3A_479 = arith.index_cast %parallel_loop3A_430 : i32 to index
        %parallel_loop3A_480 = arith.constant 32 : index
        %parallel_loop3A_481 = tpu.vector_load %parallel_loop3A_478[%parallel_loop3A_479, %parallel_loop3A_480] {strides = array<i32>} : memref<128x64xf32, #tpu.memory_space<vmem>>, vector<16xf32>,
        tpu.vector_store %parallel_loop3A_478[%parallel_loop3A_479, %parallel_loop3A_480], %parallel_loop3A_474 {strides = array<i32>} : memref<128x64xf32, #tpu.memory_space<vmem>>, vector<16xf32>,
        %parallel_loop3A_482 = arith.constant 0 : i32
        %parallel_loop3A_483 = arith.constant 0 : i32
        %parallel_loop3A_484 = tpu.memref_slice %arg6[%parallel_loop3A_195, %parallel_loop3A_482, %parallel_loop3A_483] : memref<5x128x64xf32, #tpu.memory_space<vmem>> -> memref<1x128x64xf32, #tpu.memory_space<vmem>>
        %parallel_loop3A_485 = tpu.memref_squeeze %parallel_loop3A_484 : memref<1x128x64xf32, #tpu.memory_space<vmem>> -> memref<128x64xf32, #tpu.memory_space<vmem>>
        %parallel_loop3A_486 = arith.index_cast %parallel_loop3A_430 : i32 to index
        %parallel_loop3A_487 = arith.constant 48 : index
        %parallel_loop3A_488 = tpu.vector_load %parallel_loop3A_485[%parallel_loop3A_486, %parallel_loop3A_487] {strides = array<i32>} : memref<128x64xf32, #tpu.memory_space<vmem>>, vector<16xf32>,
        %parallel_loop3A_489 = arith.constant 8.000000e+00 : f32
        %parallel_loop3A_490 = vector.broadcast %parallel_loop3A_489 : f32 to vector<16xf32>
        %parallel_loop3A_491 = arith.mulf %parallel_loop3A_488, %parallel_loop3A_490 : vector<16xf32>
        %parallel_loop3A_492 = arith.constant 0 : i32
        %parallel_loop3A_493 = arith.constant 0 : i32
        %parallel_loop3A_494 = tpu.memref_slice %arg7[%parallel_loop3A_196, %parallel_loop3A_492, %parallel_loop3A_493] : memref<5x128x64xf32, #tpu.memory_space<vmem>> -> memref<1x128x64xf32, #tpu.memory_space<vmem>>
        %parallel_loop3A_495 = tpu.memref_squeeze %parallel_loop3A_494 : memref<1x128x64xf32, #tpu.memory_space<vmem>> -> memref<128x64xf32, #tpu.memory_space<vmem>>
        %parallel_loop3A_496 = arith.index_cast %parallel_loop3A_430 : i32 to index
        %parallel_loop3A_497 = arith.constant 48 : index
        %parallel_loop3A_498 = tpu.vector_load %parallel_loop3A_495[%parallel_loop3A_496, %parallel_loop3A_497] {strides = array<i32>} : memref<128x64xf32, #tpu.memory_space<vmem>>, vector<16xf32>,
        tpu.vector_store %parallel_loop3A_495[%parallel_loop3A_496, %parallel_loop3A_497], %parallel_loop3A_491 {strides = array<i32>} : memref<128x64xf32, #tpu.memory_space<vmem>>, vector<16xf32>,
      } {sc.loop_unroll_factor = 4 : i64, sc.parallel_access}
      %add3A_197 = arith.constant 5 : i32
      %add3A_198 = arith.addi %add3A_176, %add3A_197 : i32
      %lt3A = arith.constant 200 : i32
      %lt3A_199 = arith.cmpi slt, %add3A_198, %lt3A : i32
      %convert_element_type3A_200 = arith.extui %lt3A_199 : i1 to i32
      %cond3A_201 = arith.constant 0 : i32
      %cond3A_202 = arith.cmpi ne, %convert_element_type3A_200, %cond3A_201 : i32
      scf.if %cond3A_202 {
        %dma_start3A_430 = arith.constant 0 : i32
        %dma_start3A_431 = arith.constant 0 : i32
        %dma_start3A_432 = arith.constant 0 : i32
        %dma_start3A_433 = arith.constant 0 : i32
        %dma_start3A_434 = tpu.memref_slice %arg6[%dma_start3A_430, %dma_start3A_432, %dma_start3A_433] : memref<5x128x64xf32, #tpu.memory_space<vmem>> -> memref<1x128x64xf32, #tpu.memory_space<vmem>>
        %dma_start3A_435 = tpu.memref_squeeze %dma_start3A_434 : memref<1x128x64xf32, #tpu.memory_space<vmem>> -> memref<128x64xf32, #tpu.memory_space<vmem>>
        %dma_start3A_436 = arith.constant 0 : i32
        %dma_start3A_437 = tpu.memref_slice %arg5[%add3A_198, %dma_start3A_436] : memref<200x128xi32, #tpu.memory_space<vmem>> -> memref<1x128xi32, #tpu.memory_space<vmem>>
        %dma_start3A_438 = tpu.memref_squeeze %dma_start3A_437 : memref<1x128xi32, #tpu.memory_space<vmem>> -> memref<128xi32, #tpu.memory_space<vmem>>
        %dma_start3A_439 = arith.constant 0 : i32
        %dma_start3A_440 = arith.constant 0 : i32
        %dma_start3A_441 = tpu.memref_slice %arg3[%dma_start3A_439, %dma_start3A_440] : memref<1000000x64xf32, #tpu.memory_space<hbm>> -> memref<1000000x64xf32, #tpu.memory_space<hbm>>
        %dma_start3A_442 = tpu.memref_slice %arg8[%dma_start3A_431] : memref<5x!tpu.dma_semaphore, #tpu.memory_space<semaphore_mem>> -> memref<1x!tpu.dma_semaphore, #tpu.memory_space<semaphore_mem>>
        %dma_start3A_443 = tpu.memref_squeeze %dma_start3A_442 : memref<1x!tpu.dma_semaphore, #tpu.memory_space<semaphore_mem>> -> memref<!tpu.dma_semaphore, #tpu.memory_space<semaphore_mem>>
        tpu.enqueue_indirect_dma source(%dma_start3A_441 : memref<1000000x64xf32, #tpu.memory_space<hbm>>) target(%dma_start3A_435 : memref<128x64xf32, #tpu.memory_space<vmem>>) offsets(%dma_start3A_438 : memref<128xi32, #tpu.memory_space<vmem>>) semaphore(%dma_start3A_443 : memref<!tpu.dma_semaphore, #tpu.memory_space<semaphore_mem>>)
      } else {
      }
      %mul3A_203 = arith.constant 128 : i32
      %mul3A_204 = arith.muli %add3A_176, %mul3A_203 : i32
      %add3A_205 = arith.addi %mul3A_2, %mul3A_204 : i32
      %dma_start3A_206 = arith.constant 0 : i32
      %dma_start3A_207 = arith.constant 0 : i32
      %dma_start3A_208 = arith.constant 0 : i32
      %dma_start3A_209 = arith.constant 0 : i32
      %dma_start3A_210 = tpu.memref_slice %arg7[%dma_start3A_206, %dma_start3A_208, %dma_start3A_209] : memref<5x128x64xf32, #tpu.memory_space<vmem>> -> memref<1x128x64xf32, #tpu.memory_space<vmem>>
      %dma_start3A_211 = tpu.memref_squeeze %dma_start3A_210 : memref<1x128x64xf32, #tpu.memory_space<vmem>> -> memref<128x64xf32, #tpu.memory_space<vmem>>
      %dma_start3A_212 = arith.constant 0 : i32
      %dma_start3A_213 = tpu.memref_slice %arg4[%add3A_205, %dma_start3A_212] : memref<819200x128xf32, #tpu.memory_space<hbm>> -> memref<128x64xf32, #tpu.memory_space<hbm>>
      %dma_start3A_214 = tpu.memref_slice %arg9[%dma_start3A_207] : memref<5x!tpu.dma_semaphore, #tpu.memory_space<semaphore_mem>> -> memref<1x!tpu.dma_semaphore, #tpu.memory_space<semaphore_mem>>
      %dma_start3A_215 = tpu.memref_squeeze %dma_start3A_214 : memref<1x!tpu.dma_semaphore, #tpu.memory_space<semaphore_mem>> -> memref<!tpu.dma_semaphore, #tpu.memory_space<semaphore_mem>>
      %dma_start3A_216 = arith.constant 0 : i32
      %dma_start3A_217 = tpu.memref_slice %arg4[%add3A_205, %dma_start3A_216] : memref<819200x128xf32, #tpu.memory_space<hbm>> -> memref<128x64xf32, #tpu.memory_space<hbm>>
      %dma_start3A_218 = arith.constant 0 : i32
      %dma_start3A_219 = arith.constant 0 : i32
      %dma_start3A_220 = tpu.memref_slice %arg7[%dma_start3A_206, %dma_start3A_218, %dma_start3A_219] : memref<5x128x64xf32, #tpu.memory_space<vmem>> -> memref<1x128x64xf32, #tpu.memory_space<vmem>>
      %dma_start3A_221 = tpu.memref_squeeze %dma_start3A_220 : memref<1x128x64xf32, #tpu.memory_space<vmem>> -> memref<128x64xf32, #tpu.memory_space<vmem>>
      tpu.enqueue_dma source(%dma_start3A_221 : memref<128x64xf32, #tpu.memory_space<vmem>>) target(%dma_start3A_217 : memref<128x64xf32, #tpu.memory_space<hbm>>) target_semaphore(%dma_start3A_215 : memref<!tpu.dma_semaphore, #tpu.memory_space<semaphore_mem>>)
      %add3A_222 = arith.constant 1 : i32
      %add3A_223 = arith.addi %add3A_174, %add3A_222 : i32
      %dma_wait3A_224 = arith.constant 1 : i32
      %dma_wait3A_225 = arith.constant 1 : i32
      %dma_wait3A_226 = arith.constant 0 : i32
      %dma_wait3A_227 = arith.constant 0 : i32
      %dma_wait3A_228 = tpu.memref_slice %arg6[%dma_wait3A_224, %dma_wait3A_226, %dma_wait3A_227] : memref<5x128x64xf32, #tpu.memory_space<vmem>> -> memref<1x128x64xf32, #tpu.memory_space<vmem>>
      %dma_wait3A_229 = tpu.memref_squeeze %dma_wait3A_228 : memref<1x128x64xf32, #tpu.memory_space<vmem>> -> memref<128x64xf32, #tpu.memory_space<vmem>>
      %dma_wait3A_230 = arith.constant 0 : i32
      %dma_wait3A_231 = tpu.memref_slice %arg5[%add3A_223, %dma_wait3A_230] : memref<200x128xi32, #tpu.memory_space<vmem>> -> memref<1x128xi32, #tpu.memory_space<vmem>>
      %dma_wait3A_232 = tpu.memref_squeeze %dma_wait3A_231 : memref<1x128xi32, #tpu.memory_space<vmem>> -> memref<128xi32, #tpu.memory_space<vmem>>
      %dma_wait3A_233 = arith.constant 0 : i32
      %dma_wait3A_234 = arith.constant 0 : i32
      %dma_wait3A_235 = tpu.memref_slice %arg3[%dma_wait3A_233, %dma_wait3A_234] : memref<1000000x64xf32, #tpu.memory_space<hbm>> -> memref<1000000x64xf32, #tpu.memory_space<hbm>>
      %dma_wait3A_236 = tpu.memref_slice %arg8[%dma_wait3A_225] : memref<5x!tpu.dma_semaphore, #tpu.memory_space<semaphore_mem>> -> memref<1x!tpu.dma_semaphore, #tpu.memory_space<semaphore_mem>>
      %dma_wait3A_237 = tpu.memref_squeeze %dma_wait3A_236 : memref<1x!tpu.dma_semaphore, #tpu.memory_space<semaphore_mem>> -> memref<!tpu.dma_semaphore, #tpu.memory_space<semaphore_mem>>
      tpu.wait_indirect_dma semaphore(%dma_wait3A_237 : memref<!tpu.dma_semaphore, #tpu.memory_space<semaphore_mem>>) src(%dma_wait3A_235 : memref<1000000x64xf32, #tpu.memory_space<hbm>>) dst(%dma_wait3A_229 : memref<128x64xf32, #tpu.memory_space<vmem>>)
      %ge3A_238 = arith.constant 5 : i32
      %ge3A_239 = arith.cmpi sge, %add3A_223, %ge3A_238 : i32
      %convert_element_type3A_240 = arith.extui %ge3A_239 : i1 to i32
      %cond3A_241 = arith.constant 0 : i32
      %cond3A_242 = arith.cmpi ne, %convert_element_type3A_240, %cond3A_241 : i32
      scf.if %cond3A_242 {
        %sub3A = arith.constant 5 : i32
        %sub3A_430 = arith.subi %add3A_223, %sub3A : i32
        %mul3A_431 = arith.constant 128 : i32
        %mul3A_432 = arith.muli %sub3A_430, %mul3A_431 : i32
        %add3A_433 = arith.addi %mul3A_2, %mul3A_432 : i32
        %dma_wait3A_434 = arith.constant 1 : i32
        %dma_wait3A_435 = arith.constant 1 : i32
        %dma_wait3A_436 = arith.constant 0 : i32
        %dma_wait3A_437 = arith.constant 0 : i32
        %dma_wait3A_438 = tpu.memref_slice %arg7[%dma_wait3A_434, %dma_wait3A_436, %dma_wait3A_437] : memref<5x128x64xf32, #tpu.memory_space<vmem>> -> memref<1x128x64xf32, #tpu.memory_space<vmem>>
        %dma_wait3A_439 = tpu.memref_squeeze %dma_wait3A_438 : memref<1x128x64xf32, #tpu.memory_space<vmem>> -> memref<128x64xf32, #tpu.memory_space<vmem>>
        %dma_wait3A_440 = arith.constant 0 : i32
        %dma_wait3A_441 = tpu.memref_slice %arg4[%add3A_433, %dma_wait3A_440] : memref<819200x128xf32, #tpu.memory_space<hbm>> -> memref<128x64xf32, #tpu.memory_space<hbm>>
        %dma_wait3A_442 = tpu.memref_slice %arg9[%dma_wait3A_435] : memref<5x!tpu.dma_semaphore, #tpu.memory_space<semaphore_mem>> -> memref<1x!tpu.dma_semaphore, #tpu.memory_space<semaphore_mem>>
        %dma_wait3A_443 = tpu.memref_squeeze %dma_wait3A_442 : memref<1x!tpu.dma_semaphore, #tpu.memory_space<semaphore_mem>> -> memref<!tpu.dma_semaphore, #tpu.memory_space<semaphore_mem>>
        %dma_wait3A_444 = arith.constant 0 : i32
        %dma_wait3A_445 = tpu.memref_slice %arg4[%add3A_433, %dma_wait3A_444] : memref<819200x128xf32, #tpu.memory_space<hbm>> -> memref<128x64xf32, #tpu.memory_space<hbm>>
        %dma_wait3A_446 = arith.constant 0 : i32
        %dma_wait3A_447 = arith.constant 0 : i32
        %dma_wait3A_448 = tpu.memref_slice %arg7[%dma_wait3A_434, %dma_wait3A_446, %dma_wait3A_447] : memref<5x128x64xf32, #tpu.memory_space<vmem>> -> memref<1x128x64xf32, #tpu.memory_space<vmem>>
        %dma_wait3A_449 = tpu.memref_squeeze %dma_wait3A_448 : memref<1x128x64xf32, #tpu.memory_space<vmem>> -> memref<128x64xf32, #tpu.memory_space<vmem>>
        tpu.wait_dma2 semaphore(%dma_wait3A_443 : memref<!tpu.dma_semaphore, #tpu.memory_space<semaphore_mem>>) src(%dma_wait3A_449 : memref<128x64xf32, #tpu.memory_space<vmem>>) dst(%dma_wait3A_445 : memref<128x64xf32, #tpu.memory_space<hbm>>)
      } else {
      }
      %parallel_loop3A_243 = arith.constant 0 : i32
      %parallel_loop3A_244 = arith.constant 128 : i32
      %parallel_loop3A_245 = arith.constant 1 : i32
      %parallel_loop3A_246 = arith.constant 1 : i32
      %parallel_loop3A_247 = arith.constant 1 : i32
      scf.for %parallel_loop3A_430 = %parallel_loop3A_243 to %parallel_loop3A_244 step %parallel_loop3A_245  : i32 {
        %parallel_loop3A_431 = arith.constant 0 : i32
        %parallel_loop3A_432 = arith.constant 0 : i32
        %parallel_loop3A_433 = tpu.memref_slice %arg6[%parallel_loop3A_246, %parallel_loop3A_431, %parallel_loop3A_432] : memref<5x128x64xf32, #tpu.memory_space<vmem>> -> memref<1x128x64xf32, #tpu.memory_space<vmem>>
        %parallel_loop3A_434 = tpu.memref_squeeze %parallel_loop3A_433 : memref<1x128x64xf32, #tpu.memory_space<vmem>> -> memref<128x64xf32, #tpu.memory_space<vmem>>
        %parallel_loop3A_435 = arith.index_cast %parallel_loop3A_430 : i32 to index
        %parallel_loop3A_436 = arith.constant 0 : index
        %parallel_loop3A_437 = tpu.vector_load %parallel_loop3A_434[%parallel_loop3A_435, %parallel_loop3A_436] {strides = array<i32>} : memref<128x64xf32, #tpu.memory_space<vmem>>, vector<16xf32>,
        %parallel_loop3A_438 = arith.constant 8.000000e+00 : f32
        %parallel_loop3A_439 = vector.broadcast %parallel_loop3A_438 : f32 to vector<16xf32>
        %parallel_loop3A_440 = arith.mulf %parallel_loop3A_437, %parallel_loop3A_439 : vector<16xf32>
        %parallel_loop3A_441 = arith.constant 0 : i32
        %parallel_loop3A_442 = arith.constant 0 : i32
        %parallel_loop3A_443 = tpu.memref_slice %arg7[%parallel_loop3A_247, %parallel_loop3A_441, %parallel_loop3A_442] : memref<5x128x64xf32, #tpu.memory_space<vmem>> -> memref<1x128x64xf32, #tpu.memory_space<vmem>>
        %parallel_loop3A_444 = tpu.memref_squeeze %parallel_loop3A_443 : memref<1x128x64xf32, #tpu.memory_space<vmem>> -> memref<128x64xf32, #tpu.memory_space<vmem>>
        %parallel_loop3A_445 = arith.index_cast %parallel_loop3A_430 : i32 to index
        %parallel_loop3A_446 = arith.constant 0 : index
        %parallel_loop3A_447 = tpu.vector_load %parallel_loop3A_444[%parallel_loop3A_445, %parallel_loop3A_446] {strides = array<i32>} : memref<128x64xf32, #tpu.memory_space<vmem>>, vector<16xf32>,
        tpu.vector_store %parallel_loop3A_444[%parallel_loop3A_445, %parallel_loop3A_446], %parallel_loop3A_440 {strides = array<i32>} : memref<128x64xf32, #tpu.memory_space<vmem>>, vector<16xf32>,
        %parallel_loop3A_448 = arith.constant 0 : i32
        %parallel_loop3A_449 = arith.constant 0 : i32
        %parallel_loop3A_450 = tpu.memref_slice %arg6[%parallel_loop3A_246, %parallel_loop3A_448, %parallel_loop3A_449] : memref<5x128x64xf32, #tpu.memory_space<vmem>> -> memref<1x128x64xf32, #tpu.memory_space<vmem>>
        %parallel_loop3A_451 = tpu.memref_squeeze %parallel_loop3A_450 : memref<1x128x64xf32, #tpu.memory_space<vmem>> -> memref<128x64xf32, #tpu.memory_space<vmem>>
        %parallel_loop3A_452 = arith.index_cast %parallel_loop3A_430 : i32 to index
        %parallel_loop3A_453 = arith.constant 16 : index
        %parallel_loop3A_454 = tpu.vector_load %parallel_loop3A_451[%parallel_loop3A_452, %parallel_loop3A_453] {strides = array<i32>} : memref<128x64xf32, #tpu.memory_space<vmem>>, vector<16xf32>,
        %parallel_loop3A_455 = arith.constant 8.000000e+00 : f32
        %parallel_loop3A_456 = vector.broadcast %parallel_loop3A_455 : f32 to vector<16xf32>
        %parallel_loop3A_457 = arith.mulf %parallel_loop3A_454, %parallel_loop3A_456 : vector<16xf32>
        %parallel_loop3A_458 = arith.constant 0 : i32
        %parallel_loop3A_459 = arith.constant 0 : i32
        %parallel_loop3A_460 = tpu.memref_slice %arg7[%parallel_loop3A_247, %parallel_loop3A_458, %parallel_loop3A_459] : memref<5x128x64xf32, #tpu.memory_space<vmem>> -> memref<1x128x64xf32, #tpu.memory_space<vmem>>
        %parallel_loop3A_461 = tpu.memref_squeeze %parallel_loop3A_460 : memref<1x128x64xf32, #tpu.memory_space<vmem>> -> memref<128x64xf32, #tpu.memory_space<vmem>>
        %parallel_loop3A_462 = arith.index_cast %parallel_loop3A_430 : i32 to index
        %parallel_loop3A_463 = arith.constant 16 : index
        %parallel_loop3A_464 = tpu.vector_load %parallel_loop3A_461[%parallel_loop3A_462, %parallel_loop3A_463] {strides = array<i32>} : memref<128x64xf32, #tpu.memory_space<vmem>>, vector<16xf32>,
        tpu.vector_store %parallel_loop3A_461[%parallel_loop3A_462, %parallel_loop3A_463], %parallel_loop3A_457 {strides = array<i32>} : memref<128x64xf32, #tpu.memory_space<vmem>>, vector<16xf32>,
        %parallel_loop3A_465 = arith.constant 0 : i32
        %parallel_loop3A_466 = arith.constant 0 : i32
        %parallel_loop3A_467 = tpu.memref_slice %arg6[%parallel_loop3A_246, %parallel_loop3A_465, %parallel_loop3A_466] : memref<5x128x64xf32, #tpu.memory_space<vmem>> -> memref<1x128x64xf32, #tpu.memory_space<vmem>>
        %parallel_loop3A_468 = tpu.memref_squeeze %parallel_loop3A_467 : memref<1x128x64xf32, #tpu.memory_space<vmem>> -> memref<128x64xf32, #tpu.memory_space<vmem>>
        %parallel_loop3A_469 = arith.index_cast %parallel_loop3A_430 : i32 to index
        %parallel_loop3A_470 = arith.constant 32 : index
        %parallel_loop3A_471 = tpu.vector_load %parallel_loop3A_468[%parallel_loop3A_469, %parallel_loop3A_470] {strides = array<i32>} : memref<128x64xf32, #tpu.memory_space<vmem>>, vector<16xf32>,
        %parallel_loop3A_472 = arith.constant 8.000000e+00 : f32
        %parallel_loop3A_473 = vector.broadcast %parallel_loop3A_472 : f32 to vector<16xf32>
        %parallel_loop3A_474 = arith.mulf %parallel_loop3A_471, %parallel_loop3A_473 : vector<16xf32>
        %parallel_loop3A_475 = arith.constant 0 : i32
        %parallel_loop3A_476 = arith.constant 0 : i32
        %parallel_loop3A_477 = tpu.memref_slice %arg7[%parallel_loop3A_247, %parallel_loop3A_475, %parallel_loop3A_476] : memref<5x128x64xf32, #tpu.memory_space<vmem>> -> memref<1x128x64xf32, #tpu.memory_space<vmem>>
        %parallel_loop3A_478 = tpu.memref_squeeze %parallel_loop3A_477 : memref<1x128x64xf32, #tpu.memory_space<vmem>> -> memref<128x64xf32, #tpu.memory_space<vmem>>
        %parallel_loop3A_479 = arith.index_cast %parallel_loop3A_430 : i32 to index
        %parallel_loop3A_480 = arith.constant 32 : index
        %parallel_loop3A_481 = tpu.vector_load %parallel_loop3A_478[%parallel_loop3A_479, %parallel_loop3A_480] {strides = array<i32>} : memref<128x64xf32, #tpu.memory_space<vmem>>, vector<16xf32>,
        tpu.vector_store %parallel_loop3A_478[%parallel_loop3A_479, %parallel_loop3A_480], %parallel_loop3A_474 {strides = array<i32>} : memref<128x64xf32, #tpu.memory_space<vmem>>, vector<16xf32>,
        %parallel_loop3A_482 = arith.constant 0 : i32
        %parallel_loop3A_483 = arith.constant 0 : i32
        %parallel_loop3A_484 = tpu.memref_slice %arg6[%parallel_loop3A_246, %parallel_loop3A_482, %parallel_loop3A_483] : memref<5x128x64xf32, #tpu.memory_space<vmem>> -> memref<1x128x64xf32, #tpu.memory_space<vmem>>
        %parallel_loop3A_485 = tpu.memref_squeeze %parallel_loop3A_484 : memref<1x128x64xf32, #tpu.memory_space<vmem>> -> memref<128x64xf32, #tpu.memory_space<vmem>>
        %parallel_loop3A_486 = arith.index_cast %parallel_loop3A_430 : i32 to index
        %parallel_loop3A_487 = arith.constant 48 : index
        %parallel_loop3A_488 = tpu.vector_load %parallel_loop3A_485[%parallel_loop3A_486, %parallel_loop3A_487] {strides = array<i32>} : memref<128x64xf32, #tpu.memory_space<vmem>>, vector<16xf32>,
        %parallel_loop3A_489 = arith.constant 8.000000e+00 : f32
        %parallel_loop3A_490 = vector.broadcast %parallel_loop3A_489 : f32 to vector<16xf32>
        %parallel_loop3A_491 = arith.mulf %parallel_loop3A_488, %parallel_loop3A_490 : vector<16xf32>
        %parallel_loop3A_492 = arith.constant 0 : i32
        %parallel_loop3A_493 = arith.constant 0 : i32
        %parallel_loop3A_494 = tpu.memref_slice %arg7[%parallel_loop3A_247, %parallel_loop3A_492, %parallel_loop3A_493] : memref<5x128x64xf32, #tpu.memory_space<vmem>> -> memref<1x128x64xf32, #tpu.memory_space<vmem>>
        %parallel_loop3A_495 = tpu.memref_squeeze %parallel_loop3A_494 : memref<1x128x64xf32, #tpu.memory_space<vmem>> -> memref<128x64xf32, #tpu.memory_space<vmem>>
        %parallel_loop3A_496 = arith.index_cast %parallel_loop3A_430 : i32 to index
        %parallel_loop3A_497 = arith.constant 48 : index
        %parallel_loop3A_498 = tpu.vector_load %parallel_loop3A_495[%parallel_loop3A_496, %parallel_loop3A_497] {strides = array<i32>} : memref<128x64xf32, #tpu.memory_space<vmem>>, vector<16xf32>,
        tpu.vector_store %parallel_loop3A_495[%parallel_loop3A_496, %parallel_loop3A_497], %parallel_loop3A_491 {strides = array<i32>} : memref<128x64xf32, #tpu.memory_space<vmem>>, vector<16xf32>,
      } {sc.loop_unroll_factor = 4 : i64, sc.parallel_access}
      %add3A_248 = arith.constant 5 : i32
      %add3A_249 = arith.addi %add3A_223, %add3A_248 : i32
      %lt3A_250 = arith.constant 200 : i32
      %lt3A_251 = arith.cmpi slt, %add3A_249, %lt3A_250 : i32
      %convert_element_type3A_252 = arith.extui %lt3A_251 : i1 to i32
      %cond3A_253 = arith.constant 0 : i32
      %cond3A_254 = arith.cmpi ne, %convert_element_type3A_252, %cond3A_253 : i32
      scf.if %cond3A_254 {
        %dma_start3A_430 = arith.constant 1 : i32
        %dma_start3A_431 = arith.constant 1 : i32
        %dma_start3A_432 = arith.constant 0 : i32
        %dma_start3A_433 = arith.constant 0 : i32
        %dma_start3A_434 = tpu.memref_slice %arg6[%dma_start3A_430, %dma_start3A_432, %dma_start3A_433] : memref<5x128x64xf32, #tpu.memory_space<vmem>> -> memref<1x128x64xf32, #tpu.memory_space<vmem>>
        %dma_start3A_435 = tpu.memref_squeeze %dma_start3A_434 : memref<1x128x64xf32, #tpu.memory_space<vmem>> -> memref<128x64xf32, #tpu.memory_space<vmem>>
        %dma_start3A_436 = arith.constant 0 : i32
        %dma_start3A_437 = tpu.memref_slice %arg5[%add3A_249, %dma_start3A_436] : memref<200x128xi32, #tpu.memory_space<vmem>> -> memref<1x128xi32, #tpu.memory_space<vmem>>
        %dma_start3A_438 = tpu.memref_squeeze %dma_start3A_437 : memref<1x128xi32, #tpu.memory_space<vmem>> -> memref<128xi32, #tpu.memory_space<vmem>>
        %dma_start3A_439 = arith.constant 0 : i32
        %dma_start3A_440 = arith.constant 0 : i32
        %dma_start3A_441 = tpu.memref_slice %arg3[%dma_start3A_439, %dma_start3A_440] : memref<1000000x64xf32, #tpu.memory_space<hbm>> -> memref<1000000x64xf32, #tpu.memory_space<hbm>>
        %dma_start3A_442 = tpu.memref_slice %arg8[%dma_start3A_431] : memref<5x!tpu.dma_semaphore, #tpu.memory_space<semaphore_mem>> -> memref<1x!tpu.dma_semaphore, #tpu.memory_space<semaphore_mem>>
        %dma_start3A_443 = tpu.memref_squeeze %dma_start3A_442 : memref<1x!tpu.dma_semaphore, #tpu.memory_space<semaphore_mem>> -> memref<!tpu.dma_semaphore, #tpu.memory_space<semaphore_mem>>
        tpu.enqueue_indirect_dma source(%dma_start3A_441 : memref<1000000x64xf32, #tpu.memory_space<hbm>>) target(%dma_start3A_435 : memref<128x64xf32, #tpu.memory_space<vmem>>) offsets(%dma_start3A_438 : memref<128xi32, #tpu.memory_space<vmem>>) semaphore(%dma_start3A_443 : memref<!tpu.dma_semaphore, #tpu.memory_space<semaphore_mem>>)
      } else {
      }
      %mul3A_255 = arith.constant 128 : i32
      %mul3A_256 = arith.muli %add3A_223, %mul3A_255 : i32
      %add3A_257 = arith.addi %mul3A_2, %mul3A_256 : i32
      %dma_start3A_258 = arith.constant 1 : i32
      %dma_start3A_259 = arith.constant 1 : i32
      %dma_start3A_260 = arith.constant 0 : i32
      %dma_start3A_261 = arith.constant 0 : i32
      %dma_start3A_262 = tpu.memref_slice %arg7[%dma_start3A_258, %dma_start3A_260, %dma_start3A_261] : memref<5x128x64xf32, #tpu.memory_space<vmem>> -> memref<1x128x64xf32, #tpu.memory_space<vmem>>
      %dma_start3A_263 = tpu.memref_squeeze %dma_start3A_262 : memref<1x128x64xf32, #tpu.memory_space<vmem>> -> memref<128x64xf32, #tpu.memory_space<vmem>>
      %dma_start3A_264 = arith.constant 0 : i32
      %dma_start3A_265 = tpu.memref_slice %arg4[%add3A_257, %dma_start3A_264] : memref<819200x128xf32, #tpu.memory_space<hbm>> -> memref<128x64xf32, #tpu.memory_space<hbm>>
      %dma_start3A_266 = tpu.memref_slice %arg9[%dma_start3A_259] : memref<5x!tpu.dma_semaphore, #tpu.memory_space<semaphore_mem>> -> memref<1x!tpu.dma_semaphore, #tpu.memory_space<semaphore_mem>>
      %dma_start3A_267 = tpu.memref_squeeze %dma_start3A_266 : memref<1x!tpu.dma_semaphore, #tpu.memory_space<semaphore_mem>> -> memref<!tpu.dma_semaphore, #tpu.memory_space<semaphore_mem>>
      %dma_start3A_268 = arith.constant 0 : i32
      %dma_start3A_269 = tpu.memref_slice %arg4[%add3A_257, %dma_start3A_268] : memref<819200x128xf32, #tpu.memory_space<hbm>> -> memref<128x64xf32, #tpu.memory_space<hbm>>
      %dma_start3A_270 = arith.constant 0 : i32
      %dma_start3A_271 = arith.constant 0 : i32
      %dma_start3A_272 = tpu.memref_slice %arg7[%dma_start3A_258, %dma_start3A_270, %dma_start3A_271] : memref<5x128x64xf32, #tpu.memory_space<vmem>> -> memref<1x128x64xf32, #tpu.memory_space<vmem>>
      %dma_start3A_273 = tpu.memref_squeeze %dma_start3A_272 : memref<1x128x64xf32, #tpu.memory_space<vmem>> -> memref<128x64xf32, #tpu.memory_space<vmem>>
      tpu.enqueue_dma source(%dma_start3A_273 : memref<128x64xf32, #tpu.memory_space<vmem>>) target(%dma_start3A_269 : memref<128x64xf32, #tpu.memory_space<hbm>>) target_semaphore(%dma_start3A_267 : memref<!tpu.dma_semaphore, #tpu.memory_space<semaphore_mem>>)
      %add3A_274 = arith.constant 2 : i32
      %add3A_275 = arith.addi %add3A_174, %add3A_274 : i32
      %dma_wait3A_276 = arith.constant 2 : i32
      %dma_wait3A_277 = arith.constant 2 : i32
      %dma_wait3A_278 = arith.constant 0 : i32
      %dma_wait3A_279 = arith.constant 0 : i32
      %dma_wait3A_280 = tpu.memref_slice %arg6[%dma_wait3A_276, %dma_wait3A_278, %dma_wait3A_279] : memref<5x128x64xf32, #tpu.memory_space<vmem>> -> memref<1x128x64xf32, #tpu.memory_space<vmem>>
      %dma_wait3A_281 = tpu.memref_squeeze %dma_wait3A_280 : memref<1x128x64xf32, #tpu.memory_space<vmem>> -> memref<128x64xf32, #tpu.memory_space<vmem>>
      %dma_wait3A_282 = arith.constant 0 : i32
      %dma_wait3A_283 = tpu.memref_slice %arg5[%add3A_275, %dma_wait3A_282] : memref<200x128xi32, #tpu.memory_space<vmem>> -> memref<1x128xi32, #tpu.memory_space<vmem>>
      %dma_wait3A_284 = tpu.memref_squeeze %dma_wait3A_283 : memref<1x128xi32, #tpu.memory_space<vmem>> -> memref<128xi32, #tpu.memory_space<vmem>>
      %dma_wait3A_285 = arith.constant 0 : i32
      %dma_wait3A_286 = arith.constant 0 : i32
      %dma_wait3A_287 = tpu.memref_slice %arg3[%dma_wait3A_285, %dma_wait3A_286] : memref<1000000x64xf32, #tpu.memory_space<hbm>> -> memref<1000000x64xf32, #tpu.memory_space<hbm>>
      %dma_wait3A_288 = tpu.memref_slice %arg8[%dma_wait3A_277] : memref<5x!tpu.dma_semaphore, #tpu.memory_space<semaphore_mem>> -> memref<1x!tpu.dma_semaphore, #tpu.memory_space<semaphore_mem>>
      %dma_wait3A_289 = tpu.memref_squeeze %dma_wait3A_288 : memref<1x!tpu.dma_semaphore, #tpu.memory_space<semaphore_mem>> -> memref<!tpu.dma_semaphore, #tpu.memory_space<semaphore_mem>>
      tpu.wait_indirect_dma semaphore(%dma_wait3A_289 : memref<!tpu.dma_semaphore, #tpu.memory_space<semaphore_mem>>) src(%dma_wait3A_287 : memref<1000000x64xf32, #tpu.memory_space<hbm>>) dst(%dma_wait3A_281 : memref<128x64xf32, #tpu.memory_space<vmem>>)
      %ge3A_290 = arith.constant 5 : i32
      %ge3A_291 = arith.cmpi sge, %add3A_275, %ge3A_290 : i32
      %convert_element_type3A_292 = arith.extui %ge3A_291 : i1 to i32
      %cond3A_293 = arith.constant 0 : i32
      %cond3A_294 = arith.cmpi ne, %convert_element_type3A_292, %cond3A_293 : i32
      scf.if %cond3A_294 {
        %sub3A = arith.constant 5 : i32
        %sub3A_430 = arith.subi %add3A_275, %sub3A : i32
        %mul3A_431 = arith.constant 128 : i32
        %mul3A_432 = arith.muli %sub3A_430, %mul3A_431 : i32
        %add3A_433 = arith.addi %mul3A_2, %mul3A_432 : i32
        %dma_wait3A_434 = arith.constant 2 : i32
        %dma_wait3A_435 = arith.constant 2 : i32
        %dma_wait3A_436 = arith.constant 0 : i32
        %dma_wait3A_437 = arith.constant 0 : i32
        %dma_wait3A_438 = tpu.memref_slice %arg7[%dma_wait3A_434, %dma_wait3A_436, %dma_wait3A_437] : memref<5x128x64xf32, #tpu.memory_space<vmem>> -> memref<1x128x64xf32, #tpu.memory_space<vmem>>
        %dma_wait3A_439 = tpu.memref_squeeze %dma_wait3A_438 : memref<1x128x64xf32, #tpu.memory_space<vmem>> -> memref<128x64xf32, #tpu.memory_space<vmem>>
        %dma_wait3A_440 = arith.constant 0 : i32
        %dma_wait3A_441 = tpu.memref_slice %arg4[%add3A_433, %dma_wait3A_440] : memref<819200x128xf32, #tpu.memory_space<hbm>> -> memref<128x64xf32, #tpu.memory_space<hbm>>
        %dma_wait3A_442 = tpu.memref_slice %arg9[%dma_wait3A_435] : memref<5x!tpu.dma_semaphore, #tpu.memory_space<semaphore_mem>> -> memref<1x!tpu.dma_semaphore, #tpu.memory_space<semaphore_mem>>
        %dma_wait3A_443 = tpu.memref_squeeze %dma_wait3A_442 : memref<1x!tpu.dma_semaphore, #tpu.memory_space<semaphore_mem>> -> memref<!tpu.dma_semaphore, #tpu.memory_space<semaphore_mem>>
        %dma_wait3A_444 = arith.constant 0 : i32
        %dma_wait3A_445 = tpu.memref_slice %arg4[%add3A_433, %dma_wait3A_444] : memref<819200x128xf32, #tpu.memory_space<hbm>> -> memref<128x64xf32, #tpu.memory_space<hbm>>
        %dma_wait3A_446 = arith.constant 0 : i32
        %dma_wait3A_447 = arith.constant 0 : i32
        %dma_wait3A_448 = tpu.memref_slice %arg7[%dma_wait3A_434, %dma_wait3A_446, %dma_wait3A_447] : memref<5x128x64xf32, #tpu.memory_space<vmem>> -> memref<1x128x64xf32, #tpu.memory_space<vmem>>
        %dma_wait3A_449 = tpu.memref_squeeze %dma_wait3A_448 : memref<1x128x64xf32, #tpu.memory_space<vmem>> -> memref<128x64xf32, #tpu.memory_space<vmem>>
        tpu.wait_dma2 semaphore(%dma_wait3A_443 : memref<!tpu.dma_semaphore, #tpu.memory_space<semaphore_mem>>) src(%dma_wait3A_449 : memref<128x64xf32, #tpu.memory_space<vmem>>) dst(%dma_wait3A_445 : memref<128x64xf32, #tpu.memory_space<hbm>>)
      } else {
      }
      %parallel_loop3A_295 = arith.constant 0 : i32
      %parallel_loop3A_296 = arith.constant 128 : i32
      %parallel_loop3A_297 = arith.constant 1 : i32
      %parallel_loop3A_298 = arith.constant 2 : i32
      %parallel_loop3A_299 = arith.constant 2 : i32
      scf.for %parallel_loop3A_430 = %parallel_loop3A_295 to %parallel_loop3A_296 step %parallel_loop3A_297  : i32 {
        %parallel_loop3A_431 = arith.constant 0 : i32
        %parallel_loop3A_432 = arith.constant 0 : i32
        %parallel_loop3A_433 = tpu.memref_slice %arg6[%parallel_loop3A_298, %parallel_loop3A_431, %parallel_loop3A_432] : memref<5x128x64xf32, #tpu.memory_space<vmem>> -> memref<1x128x64xf32, #tpu.memory_space<vmem>>
        %parallel_loop3A_434 = tpu.memref_squeeze %parallel_loop3A_433 : memref<1x128x64xf32, #tpu.memory_space<vmem>> -> memref<128x64xf32, #tpu.memory_space<vmem>>
        %parallel_loop3A_435 = arith.index_cast %parallel_loop3A_430 : i32 to index
        %parallel_loop3A_436 = arith.constant 0 : index
        %parallel_loop3A_437 = tpu.vector_load %parallel_loop3A_434[%parallel_loop3A_435, %parallel_loop3A_436] {strides = array<i32>} : memref<128x64xf32, #tpu.memory_space<vmem>>, vector<16xf32>,
        %parallel_loop3A_438 = arith.constant 8.000000e+00 : f32
        %parallel_loop3A_439 = vector.broadcast %parallel_loop3A_438 : f32 to vector<16xf32>
        %parallel_loop3A_440 = arith.mulf %parallel_loop3A_437, %parallel_loop3A_439 : vector<16xf32>
        %parallel_loop3A_441 = arith.constant 0 : i32
        %parallel_loop3A_442 = arith.constant 0 : i32
        %parallel_loop3A_443 = tpu.memref_slice %arg7[%parallel_loop3A_299, %parallel_loop3A_441, %parallel_loop3A_442] : memref<5x128x64xf32, #tpu.memory_space<vmem>> -> memref<1x128x64xf32, #tpu.memory_space<vmem>>
        %parallel_loop3A_444 = tpu.memref_squeeze %parallel_loop3A_443 : memref<1x128x64xf32, #tpu.memory_space<vmem>> -> memref<128x64xf32, #tpu.memory_space<vmem>>
        %parallel_loop3A_445 = arith.index_cast %parallel_loop3A_430 : i32 to index
        %parallel_loop3A_446 = arith.constant 0 : index
        %parallel_loop3A_447 = tpu.vector_load %parallel_loop3A_444[%parallel_loop3A_445, %parallel_loop3A_446] {strides = array<i32>} : memref<128x64xf32, #tpu.memory_space<vmem>>, vector<16xf32>,
        tpu.vector_store %parallel_loop3A_444[%parallel_loop3A_445, %parallel_loop3A_446], %parallel_loop3A_440 {strides = array<i32>} : memref<128x64xf32, #tpu.memory_space<vmem>>, vector<16xf32>,
        %parallel_loop3A_448 = arith.constant 0 : i32
        %parallel_loop3A_449 = arith.constant 0 : i32
        %parallel_loop3A_450 = tpu.memref_slice %arg6[%parallel_loop3A_298, %parallel_loop3A_448, %parallel_loop3A_449] : memref<5x128x64xf32, #tpu.memory_space<vmem>> -> memref<1x128x64xf32, #tpu.memory_space<vmem>>
        %parallel_loop3A_451 = tpu.memref_squeeze %parallel_loop3A_450 : memref<1x128x64xf32, #tpu.memory_space<vmem>> -> memref<128x64xf32, #tpu.memory_space<vmem>>
        %parallel_loop3A_452 = arith.index_cast %parallel_loop3A_430 : i32 to index
        %parallel_loop3A_453 = arith.constant 16 : index
        %parallel_loop3A_454 = tpu.vector_load %parallel_loop3A_451[%parallel_loop3A_452, %parallel_loop3A_453] {strides = array<i32>} : memref<128x64xf32, #tpu.memory_space<vmem>>, vector<16xf32>,
        %parallel_loop3A_455 = arith.constant 8.000000e+00 : f32
        %parallel_loop3A_456 = vector.broadcast %parallel_loop3A_455 : f32 to vector<16xf32>
        %parallel_loop3A_457 = arith.mulf %parallel_loop3A_454, %parallel_loop3A_456 : vector<16xf32>
        %parallel_loop3A_458 = arith.constant 0 : i32
        %parallel_loop3A_459 = arith.constant 0 : i32
        %parallel_loop3A_460 = tpu.memref_slice %arg7[%parallel_loop3A_299, %parallel_loop3A_458, %parallel_loop3A_459] : memref<5x128x64xf32, #tpu.memory_space<vmem>> -> memref<1x128x64xf32, #tpu.memory_space<vmem>>
        %parallel_loop3A_461 = tpu.memref_squeeze %parallel_loop3A_460 : memref<1x128x64xf32, #tpu.memory_space<vmem>> -> memref<128x64xf32, #tpu.memory_space<vmem>>
        %parallel_loop3A_462 = arith.index_cast %parallel_loop3A_430 : i32 to index
        %parallel_loop3A_463 = arith.constant 16 : index
        %parallel_loop3A_464 = tpu.vector_load %parallel_loop3A_461[%parallel_loop3A_462, %parallel_loop3A_463] {strides = array<i32>} : memref<128x64xf32, #tpu.memory_space<vmem>>, vector<16xf32>,
        tpu.vector_store %parallel_loop3A_461[%parallel_loop3A_462, %parallel_loop3A_463], %parallel_loop3A_457 {strides = array<i32>} : memref<128x64xf32, #tpu.memory_space<vmem>>, vector<16xf32>,
        %parallel_loop3A_465 = arith.constant 0 : i32
        %parallel_loop3A_466 = arith.constant 0 : i32
        %parallel_loop3A_467 = tpu.memref_slice %arg6[%parallel_loop3A_298, %parallel_loop3A_465, %parallel_loop3A_466] : memref<5x128x64xf32, #tpu.memory_space<vmem>> -> memref<1x128x64xf32, #tpu.memory_space<vmem>>
        %parallel_loop3A_468 = tpu.memref_squeeze %parallel_loop3A_467 : memref<1x128x64xf32, #tpu.memory_space<vmem>> -> memref<128x64xf32, #tpu.memory_space<vmem>>
        %parallel_loop3A_469 = arith.index_cast %parallel_loop3A_430 : i32 to index
        %parallel_loop3A_470 = arith.constant 32 : index
        %parallel_loop3A_471 = tpu.vector_load %parallel_loop3A_468[%parallel_loop3A_469, %parallel_loop3A_470] {strides = array<i32>} : memref<128x64xf32, #tpu.memory_space<vmem>>, vector<16xf32>,
        %parallel_loop3A_472 = arith.constant 8.000000e+00 : f32
        %parallel_loop3A_473 = vector.broadcast %parallel_loop3A_472 : f32 to vector<16xf32>
        %parallel_loop3A_474 = arith.mulf %parallel_loop3A_471, %parallel_loop3A_473 : vector<16xf32>
        %parallel_loop3A_475 = arith.constant 0 : i32
        %parallel_loop3A_476 = arith.constant 0 : i32
        %parallel_loop3A_477 = tpu.memref_slice %arg7[%parallel_loop3A_299, %parallel_loop3A_475, %parallel_loop3A_476] : memref<5x128x64xf32, #tpu.memory_space<vmem>> -> memref<1x128x64xf32, #tpu.memory_space<vmem>>
        %parallel_loop3A_478 = tpu.memref_squeeze %parallel_loop3A_477 : memref<1x128x64xf32, #tpu.memory_space<vmem>> -> memref<128x64xf32, #tpu.memory_space<vmem>>
        %parallel_loop3A_479 = arith.index_cast %parallel_loop3A_430 : i32 to index
        %parallel_loop3A_480 = arith.constant 32 : index
        %parallel_loop3A_481 = tpu.vector_load %parallel_loop3A_478[%parallel_loop3A_479, %parallel_loop3A_480] {strides = array<i32>} : memref<128x64xf32, #tpu.memory_space<vmem>>, vector<16xf32>,
        tpu.vector_store %parallel_loop3A_478[%parallel_loop3A_479, %parallel_loop3A_480], %parallel_loop3A_474 {strides = array<i32>} : memref<128x64xf32, #tpu.memory_space<vmem>>, vector<16xf32>,
        %parallel_loop3A_482 = arith.constant 0 : i32
        %parallel_loop3A_483 = arith.constant 0 : i32
        %parallel_loop3A_484 = tpu.memref_slice %arg6[%parallel_loop3A_298, %parallel_loop3A_482, %parallel_loop3A_483] : memref<5x128x64xf32, #tpu.memory_space<vmem>> -> memref<1x128x64xf32, #tpu.memory_space<vmem>>
        %parallel_loop3A_485 = tpu.memref_squeeze %parallel_loop3A_484 : memref<1x128x64xf32, #tpu.memory_space<vmem>> -> memref<128x64xf32, #tpu.memory_space<vmem>>
        %parallel_loop3A_486 = arith.index_cast %parallel_loop3A_430 : i32 to index
        %parallel_loop3A_487 = arith.constant 48 : index
        %parallel_loop3A_488 = tpu.vector_load %parallel_loop3A_485[%parallel_loop3A_486, %parallel_loop3A_487] {strides = array<i32>} : memref<128x64xf32, #tpu.memory_space<vmem>>, vector<16xf32>,
        %parallel_loop3A_489 = arith.constant 8.000000e+00 : f32
        %parallel_loop3A_490 = vector.broadcast %parallel_loop3A_489 : f32 to vector<16xf32>
        %parallel_loop3A_491 = arith.mulf %parallel_loop3A_488, %parallel_loop3A_490 : vector<16xf32>
        %parallel_loop3A_492 = arith.constant 0 : i32
        %parallel_loop3A_493 = arith.constant 0 : i32
        %parallel_loop3A_494 = tpu.memref_slice %arg7[%parallel_loop3A_299, %parallel_loop3A_492, %parallel_loop3A_493] : memref<5x128x64xf32, #tpu.memory_space<vmem>> -> memref<1x128x64xf32, #tpu.memory_space<vmem>>
        %parallel_loop3A_495 = tpu.memref_squeeze %parallel_loop3A_494 : memref<1x128x64xf32, #tpu.memory_space<vmem>> -> memref<128x64xf32, #tpu.memory_space<vmem>>
        %parallel_loop3A_496 = arith.index_cast %parallel_loop3A_430 : i32 to index
        %parallel_loop3A_497 = arith.constant 48 : index
        %parallel_loop3A_498 = tpu.vector_load %parallel_loop3A_495[%parallel_loop3A_496, %parallel_loop3A_497] {strides = array<i32>} : memref<128x64xf32, #tpu.memory_space<vmem>>, vector<16xf32>,
        tpu.vector_store %parallel_loop3A_495[%parallel_loop3A_496, %parallel_loop3A_497], %parallel_loop3A_491 {strides = array<i32>} : memref<128x64xf32, #tpu.memory_space<vmem>>, vector<16xf32>,
      } {sc.loop_unroll_factor = 4 : i64, sc.parallel_access}
      %add3A_300 = arith.constant 5 : i32
      %add3A_301 = arith.addi %add3A_275, %add3A_300 : i32
      %lt3A_302 = arith.constant 200 : i32
      %lt3A_303 = arith.cmpi slt, %add3A_301, %lt3A_302 : i32
      %convert_element_type3A_304 = arith.extui %lt3A_303 : i1 to i32
      %cond3A_305 = arith.constant 0 : i32
      %cond3A_306 = arith.cmpi ne, %convert_element_type3A_304, %cond3A_305 : i32
      scf.if %cond3A_306 {
        %dma_start3A_430 = arith.constant 2 : i32
        %dma_start3A_431 = arith.constant 2 : i32
        %dma_start3A_432 = arith.constant 0 : i32
        %dma_start3A_433 = arith.constant 0 : i32
        %dma_start3A_434 = tpu.memref_slice %arg6[%dma_start3A_430, %dma_start3A_432, %dma_start3A_433] : memref<5x128x64xf32, #tpu.memory_space<vmem>> -> memref<1x128x64xf32, #tpu.memory_space<vmem>>
        %dma_start3A_435 = tpu.memref_squeeze %dma_start3A_434 : memref<1x128x64xf32, #tpu.memory_space<vmem>> -> memref<128x64xf32, #tpu.memory_space<vmem>>
        %dma_start3A_436 = arith.constant 0 : i32
        %dma_start3A_437 = tpu.memref_slice %arg5[%add3A_301, %dma_start3A_436] : memref<200x128xi32, #tpu.memory_space<vmem>> -> memref<1x128xi32, #tpu.memory_space<vmem>>
        %dma_start3A_438 = tpu.memref_squeeze %dma_start3A_437 : memref<1x128xi32, #tpu.memory_space<vmem>> -> memref<128xi32, #tpu.memory_space<vmem>>
        %dma_start3A_439 = arith.constant 0 : i32
        %dma_start3A_440 = arith.constant 0 : i32
        %dma_start3A_441 = tpu.memref_slice %arg3[%dma_start3A_439, %dma_start3A_440] : memref<1000000x64xf32, #tpu.memory_space<hbm>> -> memref<1000000x64xf32, #tpu.memory_space<hbm>>
        %dma_start3A_442 = tpu.memref_slice %arg8[%dma_start3A_431] : memref<5x!tpu.dma_semaphore, #tpu.memory_space<semaphore_mem>> -> memref<1x!tpu.dma_semaphore, #tpu.memory_space<semaphore_mem>>
        %dma_start3A_443 = tpu.memref_squeeze %dma_start3A_442 : memref<1x!tpu.dma_semaphore, #tpu.memory_space<semaphore_mem>> -> memref<!tpu.dma_semaphore, #tpu.memory_space<semaphore_mem>>
        tpu.enqueue_indirect_dma source(%dma_start3A_441 : memref<1000000x64xf32, #tpu.memory_space<hbm>>) target(%dma_start3A_435 : memref<128x64xf32, #tpu.memory_space<vmem>>) offsets(%dma_start3A_438 : memref<128xi32, #tpu.memory_space<vmem>>) semaphore(%dma_start3A_443 : memref<!tpu.dma_semaphore, #tpu.memory_space<semaphore_mem>>)
      } else {
      }
      %mul3A_307 = arith.constant 128 : i32
      %mul3A_308 = arith.muli %add3A_275, %mul3A_307 : i32
      %add3A_309 = arith.addi %mul3A_2, %mul3A_308 : i32
      %dma_start3A_310 = arith.constant 2 : i32
      %dma_start3A_311 = arith.constant 2 : i32
      %dma_start3A_312 = arith.constant 0 : i32
      %dma_start3A_313 = arith.constant 0 : i32
      %dma_start3A_314 = tpu.memref_slice %arg7[%dma_start3A_310, %dma_start3A_312, %dma_start3A_313] : memref<5x128x64xf32, #tpu.memory_space<vmem>> -> memref<1x128x64xf32, #tpu.memory_space<vmem>>
      %dma_start3A_315 = tpu.memref_squeeze %dma_start3A_314 : memref<1x128x64xf32, #tpu.memory_space<vmem>> -> memref<128x64xf32, #tpu.memory_space<vmem>>
      %dma_start3A_316 = arith.constant 0 : i32
      %dma_start3A_317 = tpu.memref_slice %arg4[%add3A_309, %dma_start3A_316] : memref<819200x128xf32, #tpu.memory_space<hbm>> -> memref<128x64xf32, #tpu.memory_space<hbm>>
      %dma_start3A_318 = tpu.memref_slice %arg9[%dma_start3A_311] : memref<5x!tpu.dma_semaphore, #tpu.memory_space<semaphore_mem>> -> memref<1x!tpu.dma_semaphore, #tpu.memory_space<semaphore_mem>>
      %dma_start3A_319 = tpu.memref_squeeze %dma_start3A_318 : memref<1x!tpu.dma_semaphore, #tpu.memory_space<semaphore_mem>> -> memref<!tpu.dma_semaphore, #tpu.memory_space<semaphore_mem>>
      %dma_start3A_320 = arith.constant 0 : i32
      %dma_start3A_321 = tpu.memref_slice %arg4[%add3A_309, %dma_start3A_320] : memref<819200x128xf32, #tpu.memory_space<hbm>> -> memref<128x64xf32, #tpu.memory_space<hbm>>
      %dma_start3A_322 = arith.constant 0 : i32
      %dma_start3A_323 = arith.constant 0 : i32
      %dma_start3A_324 = tpu.memref_slice %arg7[%dma_start3A_310, %dma_start3A_322, %dma_start3A_323] : memref<5x128x64xf32, #tpu.memory_space<vmem>> -> memref<1x128x64xf32, #tpu.memory_space<vmem>>
      %dma_start3A_325 = tpu.memref_squeeze %dma_start3A_324 : memref<1x128x64xf32, #tpu.memory_space<vmem>> -> memref<128x64xf32, #tpu.memory_space<vmem>>
      tpu.enqueue_dma source(%dma_start3A_325 : memref<128x64xf32, #tpu.memory_space<vmem>>) target(%dma_start3A_321 : memref<128x64xf32, #tpu.memory_space<hbm>>) target_semaphore(%dma_start3A_319 : memref<!tpu.dma_semaphore, #tpu.memory_space<semaphore_mem>>)
      %add3A_326 = arith.constant 3 : i32
      %add3A_327 = arith.addi %add3A_174, %add3A_326 : i32
      %dma_wait3A_328 = arith.constant 3 : i32
      %dma_wait3A_329 = arith.constant 3 : i32
      %dma_wait3A_330 = arith.constant 0 : i32
      %dma_wait3A_331 = arith.constant 0 : i32
      %dma_wait3A_332 = tpu.memref_slice %arg6[%dma_wait3A_328, %dma_wait3A_330, %dma_wait3A_331] : memref<5x128x64xf32, #tpu.memory_space<vmem>> -> memref<1x128x64xf32, #tpu.memory_space<vmem>>
      %dma_wait3A_333 = tpu.memref_squeeze %dma_wait3A_332 : memref<1x128x64xf32, #tpu.memory_space<vmem>> -> memref<128x64xf32, #tpu.memory_space<vmem>>
      %dma_wait3A_334 = arith.constant 0 : i32
      %dma_wait3A_335 = tpu.memref_slice %arg5[%add3A_327, %dma_wait3A_334] : memref<200x128xi32, #tpu.memory_space<vmem>> -> memref<1x128xi32, #tpu.memory_space<vmem>>
      %dma_wait3A_336 = tpu.memref_squeeze %dma_wait3A_335 : memref<1x128xi32, #tpu.memory_space<vmem>> -> memref<128xi32, #tpu.memory_space<vmem>>
      %dma_wait3A_337 = arith.constant 0 : i32
      %dma_wait3A_338 = arith.constant 0 : i32
      %dma_wait3A_339 = tpu.memref_slice %arg3[%dma_wait3A_337, %dma_wait3A_338] : memref<1000000x64xf32, #tpu.memory_space<hbm>> -> memref<1000000x64xf32, #tpu.memory_space<hbm>>
      %dma_wait3A_340 = tpu.memref_slice %arg8[%dma_wait3A_329] : memref<5x!tpu.dma_semaphore, #tpu.memory_space<semaphore_mem>> -> memref<1x!tpu.dma_semaphore, #tpu.memory_space<semaphore_mem>>
      %dma_wait3A_341 = tpu.memref_squeeze %dma_wait3A_340 : memref<1x!tpu.dma_semaphore, #tpu.memory_space<semaphore_mem>> -> memref<!tpu.dma_semaphore, #tpu.memory_space<semaphore_mem>>
      tpu.wait_indirect_dma semaphore(%dma_wait3A_341 : memref<!tpu.dma_semaphore, #tpu.memory_space<semaphore_mem>>) src(%dma_wait3A_339 : memref<1000000x64xf32, #tpu.memory_space<hbm>>) dst(%dma_wait3A_333 : memref<128x64xf32, #tpu.memory_space<vmem>>)
      %ge3A_342 = arith.constant 5 : i32
      %ge3A_343 = arith.cmpi sge, %add3A_327, %ge3A_342 : i32
      %convert_element_type3A_344 = arith.extui %ge3A_343 : i1 to i32
      %cond3A_345 = arith.constant 0 : i32
      %cond3A_346 = arith.cmpi ne, %convert_element_type3A_344, %cond3A_345 : i32
      scf.if %cond3A_346 {
        %sub3A = arith.constant 5 : i32
        %sub3A_430 = arith.subi %add3A_327, %sub3A : i32
        %mul3A_431 = arith.constant 128 : i32
        %mul3A_432 = arith.muli %sub3A_430, %mul3A_431 : i32
        %add3A_433 = arith.addi %mul3A_2, %mul3A_432 : i32
        %dma_wait3A_434 = arith.constant 3 : i32
        %dma_wait3A_435 = arith.constant 3 : i32
        %dma_wait3A_436 = arith.constant 0 : i32
        %dma_wait3A_437 = arith.constant 0 : i32
        %dma_wait3A_438 = tpu.memref_slice %arg7[%dma_wait3A_434, %dma_wait3A_436, %dma_wait3A_437] : memref<5x128x64xf32, #tpu.memory_space<vmem>> -> memref<1x128x64xf32, #tpu.memory_space<vmem>>
        %dma_wait3A_439 = tpu.memref_squeeze %dma_wait3A_438 : memref<1x128x64xf32, #tpu.memory_space<vmem>> -> memref<128x64xf32, #tpu.memory_space<vmem>>
        %dma_wait3A_440 = arith.constant 0 : i32
        %dma_wait3A_441 = tpu.memref_slice %arg4[%add3A_433, %dma_wait3A_440] : memref<819200x128xf32, #tpu.memory_space<hbm>> -> memref<128x64xf32, #tpu.memory_space<hbm>>
        %dma_wait3A_442 = tpu.memref_slice %arg9[%dma_wait3A_435] : memref<5x!tpu.dma_semaphore, #tpu.memory_space<semaphore_mem>> -> memref<1x!tpu.dma_semaphore, #tpu.memory_space<semaphore_mem>>
        %dma_wait3A_443 = tpu.memref_squeeze %dma_wait3A_442 : memref<1x!tpu.dma_semaphore, #tpu.memory_space<semaphore_mem>> -> memref<!tpu.dma_semaphore, #tpu.memory_space<semaphore_mem>>
        %dma_wait3A_444 = arith.constant 0 : i32
        %dma_wait3A_445 = tpu.memref_slice %arg4[%add3A_433, %dma_wait3A_444] : memref<819200x128xf32, #tpu.memory_space<hbm>> -> memref<128x64xf32, #tpu.memory_space<hbm>>
        %dma_wait3A_446 = arith.constant 0 : i32
        %dma_wait3A_447 = arith.constant 0 : i32
        %dma_wait3A_448 = tpu.memref_slice %arg7[%dma_wait3A_434, %dma_wait3A_446, %dma_wait3A_447] : memref<5x128x64xf32, #tpu.memory_space<vmem>> -> memref<1x128x64xf32, #tpu.memory_space<vmem>>
        %dma_wait3A_449 = tpu.memref_squeeze %dma_wait3A_448 : memref<1x128x64xf32, #tpu.memory_space<vmem>> -> memref<128x64xf32, #tpu.memory_space<vmem>>
        tpu.wait_dma2 semaphore(%dma_wait3A_443 : memref<!tpu.dma_semaphore, #tpu.memory_space<semaphore_mem>>) src(%dma_wait3A_449 : memref<128x64xf32, #tpu.memory_space<vmem>>) dst(%dma_wait3A_445 : memref<128x64xf32, #tpu.memory_space<hbm>>)
      } else {
      }
      %parallel_loop3A_347 = arith.constant 0 : i32
      %parallel_loop3A_348 = arith.constant 128 : i32
      %parallel_loop3A_349 = arith.constant 1 : i32
      %parallel_loop3A_350 = arith.constant 3 : i32
      %parallel_loop3A_351 = arith.constant 3 : i32
      scf.for %parallel_loop3A_430 = %parallel_loop3A_347 to %parallel_loop3A_348 step %parallel_loop3A_349  : i32 {
        %parallel_loop3A_431 = arith.constant 0 : i32
        %parallel_loop3A_432 = arith.constant 0 : i32
        %parallel_loop3A_433 = tpu.memref_slice %arg6[%parallel_loop3A_350, %parallel_loop3A_431, %parallel_loop3A_432] : memref<5x128x64xf32, #tpu.memory_space<vmem>> -> memref<1x128x64xf32, #tpu.memory_space<vmem>>
        %parallel_loop3A_434 = tpu.memref_squeeze %parallel_loop3A_433 : memref<1x128x64xf32, #tpu.memory_space<vmem>> -> memref<128x64xf32, #tpu.memory_space<vmem>>
        %parallel_loop3A_435 = arith.index_cast %parallel_loop3A_430 : i32 to index
        %parallel_loop3A_436 = arith.constant 0 : index
        %parallel_loop3A_437 = tpu.vector_load %parallel_loop3A_434[%parallel_loop3A_435, %parallel_loop3A_436] {strides = array<i32>} : memref<128x64xf32, #tpu.memory_space<vmem>>, vector<16xf32>,
        %parallel_loop3A_438 = arith.constant 8.000000e+00 : f32
        %parallel_loop3A_439 = vector.broadcast %parallel_loop3A_438 : f32 to vector<16xf32>
        %parallel_loop3A_440 = arith.mulf %parallel_loop3A_437, %parallel_loop3A_439 : vector<16xf32>
        %parallel_loop3A_441 = arith.constant 0 : i32
        %parallel_loop3A_442 = arith.constant 0 : i32
        %parallel_loop3A_443 = tpu.memref_slice %arg7[%parallel_loop3A_351, %parallel_loop3A_441, %parallel_loop3A_442] : memref<5x128x64xf32, #tpu.memory_space<vmem>> -> memref<1x128x64xf32, #tpu.memory_space<vmem>>
        %parallel_loop3A_444 = tpu.memref_squeeze %parallel_loop3A_443 : memref<1x128x64xf32, #tpu.memory_space<vmem>> -> memref<128x64xf32, #tpu.memory_space<vmem>>
        %parallel_loop3A_445 = arith.index_cast %parallel_loop3A_430 : i32 to index
        %parallel_loop3A_446 = arith.constant 0 : index
        %parallel_loop3A_447 = tpu.vector_load %parallel_loop3A_444[%parallel_loop3A_445, %parallel_loop3A_446] {strides = array<i32>} : memref<128x64xf32, #tpu.memory_space<vmem>>, vector<16xf32>,
        tpu.vector_store %parallel_loop3A_444[%parallel_loop3A_445, %parallel_loop3A_446], %parallel_loop3A_440 {strides = array<i32>} : memref<128x64xf32, #tpu.memory_space<vmem>>, vector<16xf32>,
        %parallel_loop3A_448 = arith.constant 0 : i32
        %parallel_loop3A_449 = arith.constant 0 : i32
        %parallel_loop3A_450 = tpu.memref_slice %arg6[%parallel_loop3A_350, %parallel_loop3A_448, %parallel_loop3A_449] : memref<5x128x64xf32, #tpu.memory_space<vmem>> -> memref<1x128x64xf32, #tpu.memory_space<vmem>>
        %parallel_loop3A_451 = tpu.memref_squeeze %parallel_loop3A_450 : memref<1x128x64xf32, #tpu.memory_space<vmem>> -> memref<128x64xf32, #tpu.memory_space<vmem>>
        %parallel_loop3A_452 = arith.index_cast %parallel_loop3A_430 : i32 to index
        %parallel_loop3A_453 = arith.constant 16 : index
        %parallel_loop3A_454 = tpu.vector_load %parallel_loop3A_451[%parallel_loop3A_452, %parallel_loop3A_453] {strides = array<i32>} : memref<128x64xf32, #tpu.memory_space<vmem>>, vector<16xf32>,
        %parallel_loop3A_455 = arith.constant 8.000000e+00 : f32
        %parallel_loop3A_456 = vector.broadcast %parallel_loop3A_455 : f32 to vector<16xf32>
        %parallel_loop3A_457 = arith.mulf %parallel_loop3A_454, %parallel_loop3A_456 : vector<16xf32>
        %parallel_loop3A_458 = arith.constant 0 : i32
        %parallel_loop3A_459 = arith.constant 0 : i32
        %parallel_loop3A_460 = tpu.memref_slice %arg7[%parallel_loop3A_351, %parallel_loop3A_458, %parallel_loop3A_459] : memref<5x128x64xf32, #tpu.memory_space<vmem>> -> memref<1x128x64xf32, #tpu.memory_space<vmem>>
        %parallel_loop3A_461 = tpu.memref_squeeze %parallel_loop3A_460 : memref<1x128x64xf32, #tpu.memory_space<vmem>> -> memref<128x64xf32, #tpu.memory_space<vmem>>
        %parallel_loop3A_462 = arith.index_cast %parallel_loop3A_430 : i32 to index
        %parallel_loop3A_463 = arith.constant 16 : index
        %parallel_loop3A_464 = tpu.vector_load %parallel_loop3A_461[%parallel_loop3A_462, %parallel_loop3A_463] {strides = array<i32>} : memref<128x64xf32, #tpu.memory_space<vmem>>, vector<16xf32>,
        tpu.vector_store %parallel_loop3A_461[%parallel_loop3A_462, %parallel_loop3A_463], %parallel_loop3A_457 {strides = array<i32>} : memref<128x64xf32, #tpu.memory_space<vmem>>, vector<16xf32>,
        %parallel_loop3A_465 = arith.constant 0 : i32
        %parallel_loop3A_466 = arith.constant 0 : i32
        %parallel_loop3A_467 = tpu.memref_slice %arg6[%parallel_loop3A_350, %parallel_loop3A_465, %parallel_loop3A_466] : memref<5x128x64xf32, #tpu.memory_space<vmem>> -> memref<1x128x64xf32, #tpu.memory_space<vmem>>
        %parallel_loop3A_468 = tpu.memref_squeeze %parallel_loop3A_467 : memref<1x128x64xf32, #tpu.memory_space<vmem>> -> memref<128x64xf32, #tpu.memory_space<vmem>>
        %parallel_loop3A_469 = arith.index_cast %parallel_loop3A_430 : i32 to index
        %parallel_loop3A_470 = arith.constant 32 : index
        %parallel_loop3A_471 = tpu.vector_load %parallel_loop3A_468[%parallel_loop3A_469, %parallel_loop3A_470] {strides = array<i32>} : memref<128x64xf32, #tpu.memory_space<vmem>>, vector<16xf32>,
        %parallel_loop3A_472 = arith.constant 8.000000e+00 : f32
        %parallel_loop3A_473 = vector.broadcast %parallel_loop3A_472 : f32 to vector<16xf32>
        %parallel_loop3A_474 = arith.mulf %parallel_loop3A_471, %parallel_loop3A_473 : vector<16xf32>
        %parallel_loop3A_475 = arith.constant 0 : i32
        %parallel_loop3A_476 = arith.constant 0 : i32
        %parallel_loop3A_477 = tpu.memref_slice %arg7[%parallel_loop3A_351, %parallel_loop3A_475, %parallel_loop3A_476] : memref<5x128x64xf32, #tpu.memory_space<vmem>> -> memref<1x128x64xf32, #tpu.memory_space<vmem>>
        %parallel_loop3A_478 = tpu.memref_squeeze %parallel_loop3A_477 : memref<1x128x64xf32, #tpu.memory_space<vmem>> -> memref<128x64xf32, #tpu.memory_space<vmem>>
        %parallel_loop3A_479 = arith.index_cast %parallel_loop3A_430 : i32 to index
        %parallel_loop3A_480 = arith.constant 32 : index
        %parallel_loop3A_481 = tpu.vector_load %parallel_loop3A_478[%parallel_loop3A_479, %parallel_loop3A_480] {strides = array<i32>} : memref<128x64xf32, #tpu.memory_space<vmem>>, vector<16xf32>,
        tpu.vector_store %parallel_loop3A_478[%parallel_loop3A_479, %parallel_loop3A_480], %parallel_loop3A_474 {strides = array<i32>} : memref<128x64xf32, #tpu.memory_space<vmem>>, vector<16xf32>,
        %parallel_loop3A_482 = arith.constant 0 : i32
        %parallel_loop3A_483 = arith.constant 0 : i32
        %parallel_loop3A_484 = tpu.memref_slice %arg6[%parallel_loop3A_350, %parallel_loop3A_482, %parallel_loop3A_483] : memref<5x128x64xf32, #tpu.memory_space<vmem>> -> memref<1x128x64xf32, #tpu.memory_space<vmem>>
        %parallel_loop3A_485 = tpu.memref_squeeze %parallel_loop3A_484 : memref<1x128x64xf32, #tpu.memory_space<vmem>> -> memref<128x64xf32, #tpu.memory_space<vmem>>
        %parallel_loop3A_486 = arith.index_cast %parallel_loop3A_430 : i32 to index
        %parallel_loop3A_487 = arith.constant 48 : index
        %parallel_loop3A_488 = tpu.vector_load %parallel_loop3A_485[%parallel_loop3A_486, %parallel_loop3A_487] {strides = array<i32>} : memref<128x64xf32, #tpu.memory_space<vmem>>, vector<16xf32>,
        %parallel_loop3A_489 = arith.constant 8.000000e+00 : f32
        %parallel_loop3A_490 = vector.broadcast %parallel_loop3A_489 : f32 to vector<16xf32>
        %parallel_loop3A_491 = arith.mulf %parallel_loop3A_488, %parallel_loop3A_490 : vector<16xf32>
        %parallel_loop3A_492 = arith.constant 0 : i32
        %parallel_loop3A_493 = arith.constant 0 : i32
        %parallel_loop3A_494 = tpu.memref_slice %arg7[%parallel_loop3A_351, %parallel_loop3A_492, %parallel_loop3A_493] : memref<5x128x64xf32, #tpu.memory_space<vmem>> -> memref<1x128x64xf32, #tpu.memory_space<vmem>>
        %parallel_loop3A_495 = tpu.memref_squeeze %parallel_loop3A_494 : memref<1x128x64xf32, #tpu.memory_space<vmem>> -> memref<128x64xf32, #tpu.memory_space<vmem>>
        %parallel_loop3A_496 = arith.index_cast %parallel_loop3A_430 : i32 to index
        %parallel_loop3A_497 = arith.constant 48 : index
        %parallel_loop3A_498 = tpu.vector_load %parallel_loop3A_495[%parallel_loop3A_496, %parallel_loop3A_497] {strides = array<i32>} : memref<128x64xf32, #tpu.memory_space<vmem>>, vector<16xf32>,
        tpu.vector_store %parallel_loop3A_495[%parallel_loop3A_496, %parallel_loop3A_497], %parallel_loop3A_491 {strides = array<i32>} : memref<128x64xf32, #tpu.memory_space<vmem>>, vector<16xf32>,
      } {sc.loop_unroll_factor = 4 : i64, sc.parallel_access}
      %add3A_352 = arith.constant 5 : i32
      %add3A_353 = arith.addi %add3A_327, %add3A_352 : i32
      %lt3A_354 = arith.constant 200 : i32
      %lt3A_355 = arith.cmpi slt, %add3A_353, %lt3A_354 : i32
      %convert_element_type3A_356 = arith.extui %lt3A_355 : i1 to i32
      %cond3A_357 = arith.constant 0 : i32
      %cond3A_358 = arith.cmpi ne, %convert_element_type3A_356, %cond3A_357 : i32
      scf.if %cond3A_358 {
        %dma_start3A_430 = arith.constant 3 : i32
        %dma_start3A_431 = arith.constant 3 : i32
        %dma_start3A_432 = arith.constant 0 : i32
        %dma_start3A_433 = arith.constant 0 : i32
        %dma_start3A_434 = tpu.memref_slice %arg6[%dma_start3A_430, %dma_start3A_432, %dma_start3A_433] : memref<5x128x64xf32, #tpu.memory_space<vmem>> -> memref<1x128x64xf32, #tpu.memory_space<vmem>>
        %dma_start3A_435 = tpu.memref_squeeze %dma_start3A_434 : memref<1x128x64xf32, #tpu.memory_space<vmem>> -> memref<128x64xf32, #tpu.memory_space<vmem>>
        %dma_start3A_436 = arith.constant 0 : i32
        %dma_start3A_437 = tpu.memref_slice %arg5[%add3A_353, %dma_start3A_436] : memref<200x128xi32, #tpu.memory_space<vmem>> -> memref<1x128xi32, #tpu.memory_space<vmem>>
        %dma_start3A_438 = tpu.memref_squeeze %dma_start3A_437 : memref<1x128xi32, #tpu.memory_space<vmem>> -> memref<128xi32, #tpu.memory_space<vmem>>
        %dma_start3A_439 = arith.constant 0 : i32
        %dma_start3A_440 = arith.constant 0 : i32
        %dma_start3A_441 = tpu.memref_slice %arg3[%dma_start3A_439, %dma_start3A_440] : memref<1000000x64xf32, #tpu.memory_space<hbm>> -> memref<1000000x64xf32, #tpu.memory_space<hbm>>
        %dma_start3A_442 = tpu.memref_slice %arg8[%dma_start3A_431] : memref<5x!tpu.dma_semaphore, #tpu.memory_space<semaphore_mem>> -> memref<1x!tpu.dma_semaphore, #tpu.memory_space<semaphore_mem>>
        %dma_start3A_443 = tpu.memref_squeeze %dma_start3A_442 : memref<1x!tpu.dma_semaphore, #tpu.memory_space<semaphore_mem>> -> memref<!tpu.dma_semaphore, #tpu.memory_space<semaphore_mem>>
        tpu.enqueue_indirect_dma source(%dma_start3A_441 : memref<1000000x64xf32, #tpu.memory_space<hbm>>) target(%dma_start3A_435 : memref<128x64xf32, #tpu.memory_space<vmem>>) offsets(%dma_start3A_438 : memref<128xi32, #tpu.memory_space<vmem>>) semaphore(%dma_start3A_443 : memref<!tpu.dma_semaphore, #tpu.memory_space<semaphore_mem>>)
      } else {
      }
      %mul3A_359 = arith.constant 128 : i32
      %mul3A_360 = arith.muli %add3A_327, %mul3A_359 : i32
      %add3A_361 = arith.addi %mul3A_2, %mul3A_360 : i32
      %dma_start3A_362 = arith.constant 3 : i32
      %dma_start3A_363 = arith.constant 3 : i32
      %dma_start3A_364 = arith.constant 0 : i32
      %dma_start3A_365 = arith.constant 0 : i32
      %dma_start3A_366 = tpu.memref_slice %arg7[%dma_start3A_362, %dma_start3A_364, %dma_start3A_365] : memref<5x128x64xf32, #tpu.memory_space<vmem>> -> memref<1x128x64xf32, #tpu.memory_space<vmem>>
      %dma_start3A_367 = tpu.memref_squeeze %dma_start3A_366 : memref<1x128x64xf32, #tpu.memory_space<vmem>> -> memref<128x64xf32, #tpu.memory_space<vmem>>
      %dma_start3A_368 = arith.constant 0 : i32
      %dma_start3A_369 = tpu.memref_slice %arg4[%add3A_361, %dma_start3A_368] : memref<819200x128xf32, #tpu.memory_space<hbm>> -> memref<128x64xf32, #tpu.memory_space<hbm>>
      %dma_start3A_370 = tpu.memref_slice %arg9[%dma_start3A_363] : memref<5x!tpu.dma_semaphore, #tpu.memory_space<semaphore_mem>> -> memref<1x!tpu.dma_semaphore, #tpu.memory_space<semaphore_mem>>
      %dma_start3A_371 = tpu.memref_squeeze %dma_start3A_370 : memref<1x!tpu.dma_semaphore, #tpu.memory_space<semaphore_mem>> -> memref<!tpu.dma_semaphore, #tpu.memory_space<semaphore_mem>>
      %dma_start3A_372 = arith.constant 0 : i32
      %dma_start3A_373 = tpu.memref_slice %arg4[%add3A_361, %dma_start3A_372] : memref<819200x128xf32, #tpu.memory_space<hbm>> -> memref<128x64xf32, #tpu.memory_space<hbm>>
      %dma_start3A_374 = arith.constant 0 : i32
      %dma_start3A_375 = arith.constant 0 : i32
      %dma_start3A_376 = tpu.memref_slice %arg7[%dma_start3A_362, %dma_start3A_374, %dma_start3A_375] : memref<5x128x64xf32, #tpu.memory_space<vmem>> -> memref<1x128x64xf32, #tpu.memory_space<vmem>>
      %dma_start3A_377 = tpu.memref_squeeze %dma_start3A_376 : memref<1x128x64xf32, #tpu.memory_space<vmem>> -> memref<128x64xf32, #tpu.memory_space<vmem>>
      tpu.enqueue_dma source(%dma_start3A_377 : memref<128x64xf32, #tpu.memory_space<vmem>>) target(%dma_start3A_373 : memref<128x64xf32, #tpu.memory_space<hbm>>) target_semaphore(%dma_start3A_371 : memref<!tpu.dma_semaphore, #tpu.memory_space<semaphore_mem>>)
      %add3A_378 = arith.constant 4 : i32
      %add3A_379 = arith.addi %add3A_174, %add3A_378 : i32
      %dma_wait3A_380 = arith.constant 4 : i32
      %dma_wait3A_381 = arith.constant 4 : i32
      %dma_wait3A_382 = arith.constant 0 : i32
      %dma_wait3A_383 = arith.constant 0 : i32
      %dma_wait3A_384 = tpu.memref_slice %arg6[%dma_wait3A_380, %dma_wait3A_382, %dma_wait3A_383] : memref<5x128x64xf32, #tpu.memory_space<vmem>> -> memref<1x128x64xf32, #tpu.memory_space<vmem>>
      %dma_wait3A_385 = tpu.memref_squeeze %dma_wait3A_384 : memref<1x128x64xf32, #tpu.memory_space<vmem>> -> memref<128x64xf32, #tpu.memory_space<vmem>>
      %dma_wait3A_386 = arith.constant 0 : i32
      %dma_wait3A_387 = tpu.memref_slice %arg5[%add3A_379, %dma_wait3A_386] : memref<200x128xi32, #tpu.memory_space<vmem>> -> memref<1x128xi32, #tpu.memory_space<vmem>>
      %dma_wait3A_388 = tpu.memref_squeeze %dma_wait3A_387 : memref<1x128xi32, #tpu.memory_space<vmem>> -> memref<128xi32, #tpu.memory_space<vmem>>
      %dma_wait3A_389 = arith.constant 0 : i32
      %dma_wait3A_390 = arith.constant 0 : i32
      %dma_wait3A_391 = tpu.memref_slice %arg3[%dma_wait3A_389, %dma_wait3A_390] : memref<1000000x64xf32, #tpu.memory_space<hbm>> -> memref<1000000x64xf32, #tpu.memory_space<hbm>>
      %dma_wait3A_392 = tpu.memref_slice %arg8[%dma_wait3A_381] : memref<5x!tpu.dma_semaphore, #tpu.memory_space<semaphore_mem>> -> memref<1x!tpu.dma_semaphore, #tpu.memory_space<semaphore_mem>>
      %dma_wait3A_393 = tpu.memref_squeeze %dma_wait3A_392 : memref<1x!tpu.dma_semaphore, #tpu.memory_space<semaphore_mem>> -> memref<!tpu.dma_semaphore, #tpu.memory_space<semaphore_mem>>
      tpu.wait_indirect_dma semaphore(%dma_wait3A_393 : memref<!tpu.dma_semaphore, #tpu.memory_space<semaphore_mem>>) src(%dma_wait3A_391 : memref<1000000x64xf32, #tpu.memory_space<hbm>>) dst(%dma_wait3A_385 : memref<128x64xf32, #tpu.memory_space<vmem>>)
      %ge3A_394 = arith.constant 5 : i32
      %ge3A_395 = arith.cmpi sge, %add3A_379, %ge3A_394 : i32
      %convert_element_type3A_396 = arith.extui %ge3A_395 : i1 to i32
      %cond3A_397 = arith.constant 0 : i32
      %cond3A_398 = arith.cmpi ne, %convert_element_type3A_396, %cond3A_397 : i32
      scf.if %cond3A_398 {
        %sub3A = arith.constant 5 : i32
        %sub3A_430 = arith.subi %add3A_379, %sub3A : i32
        %mul3A_431 = arith.constant 128 : i32
        %mul3A_432 = arith.muli %sub3A_430, %mul3A_431 : i32
        %add3A_433 = arith.addi %mul3A_2, %mul3A_432 : i32
        %dma_wait3A_434 = arith.constant 4 : i32
        %dma_wait3A_435 = arith.constant 4 : i32
        %dma_wait3A_436 = arith.constant 0 : i32
        %dma_wait3A_437 = arith.constant 0 : i32
        %dma_wait3A_438 = tpu.memref_slice %arg7[%dma_wait3A_434, %dma_wait3A_436, %dma_wait3A_437] : memref<5x128x64xf32, #tpu.memory_space<vmem>> -> memref<1x128x64xf32, #tpu.memory_space<vmem>>
        %dma_wait3A_439 = tpu.memref_squeeze %dma_wait3A_438 : memref<1x128x64xf32, #tpu.memory_space<vmem>> -> memref<128x64xf32, #tpu.memory_space<vmem>>
        %dma_wait3A_440 = arith.constant 0 : i32
        %dma_wait3A_441 = tpu.memref_slice %arg4[%add3A_433, %dma_wait3A_440] : memref<819200x128xf32, #tpu.memory_space<hbm>> -> memref<128x64xf32, #tpu.memory_space<hbm>>
        %dma_wait3A_442 = tpu.memref_slice %arg9[%dma_wait3A_435] : memref<5x!tpu.dma_semaphore, #tpu.memory_space<semaphore_mem>> -> memref<1x!tpu.dma_semaphore, #tpu.memory_space<semaphore_mem>>
        %dma_wait3A_443 = tpu.memref_squeeze %dma_wait3A_442 : memref<1x!tpu.dma_semaphore, #tpu.memory_space<semaphore_mem>> -> memref<!tpu.dma_semaphore, #tpu.memory_space<semaphore_mem>>
        %dma_wait3A_444 = arith.constant 0 : i32
        %dma_wait3A_445 = tpu.memref_slice %arg4[%add3A_433, %dma_wait3A_444] : memref<819200x128xf32, #tpu.memory_space<hbm>> -> memref<128x64xf32, #tpu.memory_space<hbm>>
        %dma_wait3A_446 = arith.constant 0 : i32
        %dma_wait3A_447 = arith.constant 0 : i32
        %dma_wait3A_448 = tpu.memref_slice %arg7[%dma_wait3A_434, %dma_wait3A_446, %dma_wait3A_447] : memref<5x128x64xf32, #tpu.memory_space<vmem>> -> memref<1x128x64xf32, #tpu.memory_space<vmem>>
        %dma_wait3A_449 = tpu.memref_squeeze %dma_wait3A_448 : memref<1x128x64xf32, #tpu.memory_space<vmem>> -> memref<128x64xf32, #tpu.memory_space<vmem>>
        tpu.wait_dma2 semaphore(%dma_wait3A_443 : memref<!tpu.dma_semaphore, #tpu.memory_space<semaphore_mem>>) src(%dma_wait3A_449 : memref<128x64xf32, #tpu.memory_space<vmem>>) dst(%dma_wait3A_445 : memref<128x64xf32, #tpu.memory_space<hbm>>)
      } else {
      }
      %parallel_loop3A_399 = arith.constant 0 : i32
      %parallel_loop3A_400 = arith.constant 128 : i32
      %parallel_loop3A_401 = arith.constant 1 : i32
      %parallel_loop3A_402 = arith.constant 4 : i32
      %parallel_loop3A_403 = arith.constant 4 : i32
      scf.for %parallel_loop3A_430 = %parallel_loop3A_399 to %parallel_loop3A_400 step %parallel_loop3A_401  : i32 {
        %parallel_loop3A_431 = arith.constant 0 : i32
        %parallel_loop3A_432 = arith.constant 0 : i32
        %parallel_loop3A_433 = tpu.memref_slice %arg6[%parallel_loop3A_402, %parallel_loop3A_431, %parallel_loop3A_432] : memref<5x128x64xf32, #tpu.memory_space<vmem>> -> memref<1x128x64xf32, #tpu.memory_space<vmem>>
        %parallel_loop3A_434 = tpu.memref_squeeze %parallel_loop3A_433 : memref<1x128x64xf32, #tpu.memory_space<vmem>> -> memref<128x64xf32, #tpu.memory_space<vmem>>
        %parallel_loop3A_435 = arith.index_cast %parallel_loop3A_430 : i32 to index
        %parallel_loop3A_436 = arith.constant 0 : index
        %parallel_loop3A_437 = tpu.vector_load %parallel_loop3A_434[%parallel_loop3A_435, %parallel_loop3A_436] {strides = array<i32>} : memref<128x64xf32, #tpu.memory_space<vmem>>, vector<16xf32>,
        %parallel_loop3A_438 = arith.constant 8.000000e+00 : f32
        %parallel_loop3A_439 = vector.broadcast %parallel_loop3A_438 : f32 to vector<16xf32>
        %parallel_loop3A_440 = arith.mulf %parallel_loop3A_437, %parallel_loop3A_439 : vector<16xf32>
        %parallel_loop3A_441 = arith.constant 0 : i32
        %parallel_loop3A_442 = arith.constant 0 : i32
        %parallel_loop3A_443 = tpu.memref_slice %arg7[%parallel_loop3A_403, %parallel_loop3A_441, %parallel_loop3A_442] : memref<5x128x64xf32, #tpu.memory_space<vmem>> -> memref<1x128x64xf32, #tpu.memory_space<vmem>>
        %parallel_loop3A_444 = tpu.memref_squeeze %parallel_loop3A_443 : memref<1x128x64xf32, #tpu.memory_space<vmem>> -> memref<128x64xf32, #tpu.memory_space<vmem>>
        %parallel_loop3A_445 = arith.index_cast %parallel_loop3A_430 : i32 to index
        %parallel_loop3A_446 = arith.constant 0 : index
        %parallel_loop3A_447 = tpu.vector_load %parallel_loop3A_444[%parallel_loop3A_445, %parallel_loop3A_446] {strides = array<i32>} : memref<128x64xf32, #tpu.memory_space<vmem>>, vector<16xf32>,
        tpu.vector_store %parallel_loop3A_444[%parallel_loop3A_445, %parallel_loop3A_446], %parallel_loop3A_440 {strides = array<i32>} : memref<128x64xf32, #tpu.memory_space<vmem>>, vector<16xf32>,
        %parallel_loop3A_448 = arith.constant 0 : i32
        %parallel_loop3A_449 = arith.constant 0 : i32
        %parallel_loop3A_450 = tpu.memref_slice %arg6[%parallel_loop3A_402, %parallel_loop3A_448, %parallel_loop3A_449] : memref<5x128x64xf32, #tpu.memory_space<vmem>> -> memref<1x128x64xf32, #tpu.memory_space<vmem>>
        %parallel_loop3A_451 = tpu.memref_squeeze %parallel_loop3A_450 : memref<1x128x64xf32, #tpu.memory_space<vmem>> -> memref<128x64xf32, #tpu.memory_space<vmem>>
        %parallel_loop3A_452 = arith.index_cast %parallel_loop3A_430 : i32 to index
        %parallel_loop3A_453 = arith.constant 16 : index
        %parallel_loop3A_454 = tpu.vector_load %parallel_loop3A_451[%parallel_loop3A_452, %parallel_loop3A_453] {strides = array<i32>} : memref<128x64xf32, #tpu.memory_space<vmem>>, vector<16xf32>,
        %parallel_loop3A_455 = arith.constant 8.000000e+00 : f32
        %parallel_loop3A_456 = vector.broadcast %parallel_loop3A_455 : f32 to vector<16xf32>
        %parallel_loop3A_457 = arith.mulf %parallel_loop3A_454, %parallel_loop3A_456 : vector<16xf32>
        %parallel_loop3A_458 = arith.constant 0 : i32
        %parallel_loop3A_459 = arith.constant 0 : i32
        %parallel_loop3A_460 = tpu.memref_slice %arg7[%parallel_loop3A_403, %parallel_loop3A_458, %parallel_loop3A_459] : memref<5x128x64xf32, #tpu.memory_space<vmem>> -> memref<1x128x64xf32, #tpu.memory_space<vmem>>
        %parallel_loop3A_461 = tpu.memref_squeeze %parallel_loop3A_460 : memref<1x128x64xf32, #tpu.memory_space<vmem>> -> memref<128x64xf32, #tpu.memory_space<vmem>>
        %parallel_loop3A_462 = arith.index_cast %parallel_loop3A_430 : i32 to index
        %parallel_loop3A_463 = arith.constant 16 : index
        %parallel_loop3A_464 = tpu.vector_load %parallel_loop3A_461[%parallel_loop3A_462, %parallel_loop3A_463] {strides = array<i32>} : memref<128x64xf32, #tpu.memory_space<vmem>>, vector<16xf32>,
        tpu.vector_store %parallel_loop3A_461[%parallel_loop3A_462, %parallel_loop3A_463], %parallel_loop3A_457 {strides = array<i32>} : memref<128x64xf32, #tpu.memory_space<vmem>>, vector<16xf32>,
        %parallel_loop3A_465 = arith.constant 0 : i32
        %parallel_loop3A_466 = arith.constant 0 : i32
        %parallel_loop3A_467 = tpu.memref_slice %arg6[%parallel_loop3A_402, %parallel_loop3A_465, %parallel_loop3A_466] : memref<5x128x64xf32, #tpu.memory_space<vmem>> -> memref<1x128x64xf32, #tpu.memory_space<vmem>>
        %parallel_loop3A_468 = tpu.memref_squeeze %parallel_loop3A_467 : memref<1x128x64xf32, #tpu.memory_space<vmem>> -> memref<128x64xf32, #tpu.memory_space<vmem>>
        %parallel_loop3A_469 = arith.index_cast %parallel_loop3A_430 : i32 to index
        %parallel_loop3A_470 = arith.constant 32 : index
        %parallel_loop3A_471 = tpu.vector_load %parallel_loop3A_468[%parallel_loop3A_469, %parallel_loop3A_470] {strides = array<i32>} : memref<128x64xf32, #tpu.memory_space<vmem>>, vector<16xf32>,
        %parallel_loop3A_472 = arith.constant 8.000000e+00 : f32
        %parallel_loop3A_473 = vector.broadcast %parallel_loop3A_472 : f32 to vector<16xf32>
        %parallel_loop3A_474 = arith.mulf %parallel_loop3A_471, %parallel_loop3A_473 : vector<16xf32>
        %parallel_loop3A_475 = arith.constant 0 : i32
        %parallel_loop3A_476 = arith.constant 0 : i32
        %parallel_loop3A_477 = tpu.memref_slice %arg7[%parallel_loop3A_403, %parallel_loop3A_475, %parallel_loop3A_476] : memref<5x128x64xf32, #tpu.memory_space<vmem>> -> memref<1x128x64xf32, #tpu.memory_space<vmem>>
        %parallel_loop3A_478 = tpu.memref_squeeze %parallel_loop3A_477 : memref<1x128x64xf32, #tpu.memory_space<vmem>> -> memref<128x64xf32, #tpu.memory_space<vmem>>
        %parallel_loop3A_479 = arith.index_cast %parallel_loop3A_430 : i32 to index
        %parallel_loop3A_480 = arith.constant 32 : index
        %parallel_loop3A_481 = tpu.vector_load %parallel_loop3A_478[%parallel_loop3A_479, %parallel_loop3A_480] {strides = array<i32>} : memref<128x64xf32, #tpu.memory_space<vmem>>, vector<16xf32>,
        tpu.vector_store %parallel_loop3A_478[%parallel_loop3A_479, %parallel_loop3A_480], %parallel_loop3A_474 {strides = array<i32>} : memref<128x64xf32, #tpu.memory_space<vmem>>, vector<16xf32>,
        %parallel_loop3A_482 = arith.constant 0 : i32
        %parallel_loop3A_483 = arith.constant 0 : i32
        %parallel_loop3A_484 = tpu.memref_slice %arg6[%parallel_loop3A_402, %parallel_loop3A_482, %parallel_loop3A_483] : memref<5x128x64xf32, #tpu.memory_space<vmem>> -> memref<1x128x64xf32, #tpu.memory_space<vmem>>
        %parallel_loop3A_485 = tpu.memref_squeeze %parallel_loop3A_484 : memref<1x128x64xf32, #tpu.memory_space<vmem>> -> memref<128x64xf32, #tpu.memory_space<vmem>>
        %parallel_loop3A_486 = arith.index_cast %parallel_loop3A_430 : i32 to index
        %parallel_loop3A_487 = arith.constant 48 : index
        %parallel_loop3A_488 = tpu.vector_load %parallel_loop3A_485[%parallel_loop3A_486, %parallel_loop3A_487] {strides = array<i32>} : memref<128x64xf32, #tpu.memory_space<vmem>>, vector<16xf32>,
        %parallel_loop3A_489 = arith.constant 8.000000e+00 : f32
        %parallel_loop3A_490 = vector.broadcast %parallel_loop3A_489 : f32 to vector<16xf32>
        %parallel_loop3A_491 = arith.mulf %parallel_loop3A_488, %parallel_loop3A_490 : vector<16xf32>
        %parallel_loop3A_492 = arith.constant 0 : i32
        %parallel_loop3A_493 = arith.constant 0 : i32
        %parallel_loop3A_494 = tpu.memref_slice %arg7[%parallel_loop3A_403, %parallel_loop3A_492, %parallel_loop3A_493] : memref<5x128x64xf32, #tpu.memory_space<vmem>> -> memref<1x128x64xf32, #tpu.memory_space<vmem>>
        %parallel_loop3A_495 = tpu.memref_squeeze %parallel_loop3A_494 : memref<1x128x64xf32, #tpu.memory_space<vmem>> -> memref<128x64xf32, #tpu.memory_space<vmem>>
        %parallel_loop3A_496 = arith.index_cast %parallel_loop3A_430 : i32 to index
        %parallel_loop3A_497 = arith.constant 48 : index
        %parallel_loop3A_498 = tpu.vector_load %parallel_loop3A_495[%parallel_loop3A_496, %parallel_loop3A_497] {strides = array<i32>} : memref<128x64xf32, #tpu.memory_space<vmem>>, vector<16xf32>,
        tpu.vector_store %parallel_loop3A_495[%parallel_loop3A_496, %parallel_loop3A_497], %parallel_loop3A_491 {strides = array<i32>} : memref<128x64xf32, #tpu.memory_space<vmem>>, vector<16xf32>,
      } {sc.loop_unroll_factor = 4 : i64, sc.parallel_access}
      %add3A_404 = arith.constant 5 : i32
      %add3A_405 = arith.addi %add3A_379, %add3A_404 : i32
      %lt3A_406 = arith.constant 200 : i32
      %lt3A_407 = arith.cmpi slt, %add3A_405, %lt3A_406 : i32
      %convert_element_type3A_408 = arith.extui %lt3A_407 : i1 to i32
      %cond3A_409 = arith.constant 0 : i32
      %cond3A_410 = arith.cmpi ne, %convert_element_type3A_408, %cond3A_409 : i32
      scf.if %cond3A_410 {
        %dma_start3A_430 = arith.constant 4 : i32
        %dma_start3A_431 = arith.constant 4 : i32
        %dma_start3A_432 = arith.constant 0 : i32
        %dma_start3A_433 = arith.constant 0 : i32
        %dma_start3A_434 = tpu.memref_slice %arg6[%dma_start3A_430, %dma_start3A_432, %dma_start3A_433] : memref<5x128x64xf32, #tpu.memory_space<vmem>> -> memref<1x128x64xf32, #tpu.memory_space<vmem>>
        %dma_start3A_435 = tpu.memref_squeeze %dma_start3A_434 : memref<1x128x64xf32, #tpu.memory_space<vmem>> -> memref<128x64xf32, #tpu.memory_space<vmem>>
        %dma_start3A_436 = arith.constant 0 : i32
        %dma_start3A_437 = tpu.memref_slice %arg5[%add3A_405, %dma_start3A_436] : memref<200x128xi32, #tpu.memory_space<vmem>> -> memref<1x128xi32, #tpu.memory_space<vmem>>
        %dma_start3A_438 = tpu.memref_squeeze %dma_start3A_437 : memref<1x128xi32, #tpu.memory_space<vmem>> -> memref<128xi32, #tpu.memory_space<vmem>>
        %dma_start3A_439 = arith.constant 0 : i32
        %dma_start3A_440 = arith.constant 0 : i32
        %dma_start3A_441 = tpu.memref_slice %arg3[%dma_start3A_439, %dma_start3A_440] : memref<1000000x64xf32, #tpu.memory_space<hbm>> -> memref<1000000x64xf32, #tpu.memory_space<hbm>>
        %dma_start3A_442 = tpu.memref_slice %arg8[%dma_start3A_431] : memref<5x!tpu.dma_semaphore, #tpu.memory_space<semaphore_mem>> -> memref<1x!tpu.dma_semaphore, #tpu.memory_space<semaphore_mem>>
        %dma_start3A_443 = tpu.memref_squeeze %dma_start3A_442 : memref<1x!tpu.dma_semaphore, #tpu.memory_space<semaphore_mem>> -> memref<!tpu.dma_semaphore, #tpu.memory_space<semaphore_mem>>
        tpu.enqueue_indirect_dma source(%dma_start3A_441 : memref<1000000x64xf32, #tpu.memory_space<hbm>>) target(%dma_start3A_435 : memref<128x64xf32, #tpu.memory_space<vmem>>) offsets(%dma_start3A_438 : memref<128xi32, #tpu.memory_space<vmem>>) semaphore(%dma_start3A_443 : memref<!tpu.dma_semaphore, #tpu.memory_space<semaphore_mem>>)
      } else {
      }
      %mul3A_411 = arith.constant 128 : i32
      %mul3A_412 = arith.muli %add3A_379, %mul3A_411 : i32
      %add3A_413 = arith.addi %mul3A_2, %mul3A_412 : i32
      %dma_start3A_414 = arith.constant 4 : i32
      %dma_start3A_415 = arith.constant 4 : i32
      %dma_start3A_416 = arith.constant 0 : i32
      %dma_start3A_417 = arith.constant 0 : i32
      %dma_start3A_418 = tpu.memref_slice %arg7[%dma_start3A_414, %dma_start3A_416, %dma_start3A_417] : memref<5x128x64xf32, #tpu.memory_space<vmem>> -> memref<1x128x64xf32, #tpu.memory_space<vmem>>
      %dma_start3A_419 = tpu.memref_squeeze %dma_start3A_418 : memref<1x128x64xf32, #tpu.memory_space<vmem>> -> memref<128x64xf32, #tpu.memory_space<vmem>>
      %dma_start3A_420 = arith.constant 0 : i32
      %dma_start3A_421 = tpu.memref_slice %arg4[%add3A_413, %dma_start3A_420] : memref<819200x128xf32, #tpu.memory_space<hbm>> -> memref<128x64xf32, #tpu.memory_space<hbm>>
      %dma_start3A_422 = tpu.memref_slice %arg9[%dma_start3A_415] : memref<5x!tpu.dma_semaphore, #tpu.memory_space<semaphore_mem>> -> memref<1x!tpu.dma_semaphore, #tpu.memory_space<semaphore_mem>>
      %dma_start3A_423 = tpu.memref_squeeze %dma_start3A_422 : memref<1x!tpu.dma_semaphore, #tpu.memory_space<semaphore_mem>> -> memref<!tpu.dma_semaphore, #tpu.memory_space<semaphore_mem>>
      %dma_start3A_424 = arith.constant 0 : i32
      %dma_start3A_425 = tpu.memref_slice %arg4[%add3A_413, %dma_start3A_424] : memref<819200x128xf32, #tpu.memory_space<hbm>> -> memref<128x64xf32, #tpu.memory_space<hbm>>
      %dma_start3A_426 = arith.constant 0 : i32
      %dma_start3A_427 = arith.constant 0 : i32
      %dma_start3A_428 = tpu.memref_slice %arg7[%dma_start3A_414, %dma_start3A_426, %dma_start3A_427] : memref<5x128x64xf32, #tpu.memory_space<vmem>> -> memref<1x128x64xf32, #tpu.memory_space<vmem>>
      %dma_start3A_429 = tpu.memref_squeeze %dma_start3A_428 : memref<1x128x64xf32, #tpu.memory_space<vmem>> -> memref<128x64xf32, #tpu.memory_space<vmem>>
      tpu.enqueue_dma source(%dma_start3A_429 : memref<128x64xf32, #tpu.memory_space<vmem>>) target(%dma_start3A_425 : memref<128x64xf32, #tpu.memory_space<hbm>>) target_semaphore(%dma_start3A_423 : memref<!tpu.dma_semaphore, #tpu.memory_space<semaphore_mem>>)
    }
    %scan3A_80 = arith.constant 40 : i32
    %add3A_81 = arith.constant 24960 : i32
    %add3A_82 = arith.addi %mul3A_2, %add3A_81 : i32
    %dma_wait3A = arith.constant 0 : i32
    %dma_wait3A_83 = arith.constant 0 : i32
    %dma_wait3A_84 = arith.constant 0 : i32
    %dma_wait3A_85 = arith.constant 0 : i32
    %dma_wait3A_86 = tpu.memref_slice %arg7[%dma_wait3A, %dma_wait3A_84, %dma_wait3A_85] : memref<5x128x64xf32, #tpu.memory_space<vmem>> -> memref<1x128x64xf32, #tpu.memory_space<vmem>>
    %dma_wait3A_87 = tpu.memref_squeeze %dma_wait3A_86 : memref<1x128x64xf32, #tpu.memory_space<vmem>> -> memref<128x64xf32, #tpu.memory_space<vmem>>
    %dma_wait3A_88 = arith.constant 0 : i32
    %dma_wait3A_89 = tpu.memref_slice %arg4[%add3A_82, %dma_wait3A_88] : memref<819200x128xf32, #tpu.memory_space<hbm>> -> memref<128x64xf32, #tpu.memory_space<hbm>>
    %dma_wait3A_90 = tpu.memref_slice %arg9[%dma_wait3A_83] : memref<5x!tpu.dma_semaphore, #tpu.memory_space<semaphore_mem>> -> memref<1x!tpu.dma_semaphore, #tpu.memory_space<semaphore_mem>>
    %dma_wait3A_91 = tpu.memref_squeeze %dma_wait3A_90 : memref<1x!tpu.dma_semaphore, #tpu.memory_space<semaphore_mem>> -> memref<!tpu.dma_semaphore, #tpu.memory_space<semaphore_mem>>
    %dma_wait3A_92 = arith.constant 0 : i32
    %dma_wait3A_93 = tpu.memref_slice %arg4[%add3A_82, %dma_wait3A_92] : memref<819200x128xf32, #tpu.memory_space<hbm>> -> memref<128x64xf32, #tpu.memory_space<hbm>>
    %dma_wait3A_94 = arith.constant 0 : i32
    %dma_wait3A_95 = arith.constant 0 : i32
    %dma_wait3A_96 = tpu.memref_slice %arg7[%dma_wait3A, %dma_wait3A_94, %dma_wait3A_95] : memref<5x128x64xf32, #tpu.memory_space<vmem>> -> memref<1x128x64xf32, #tpu.memory_space<vmem>>
    %dma_wait3A_97 = tpu.memref_squeeze %dma_wait3A_96 : memref<1x128x64xf32, #tpu.memory_space<vmem>> -> memref<128x64xf32, #tpu.memory_space<vmem>>
    tpu.wait_dma2 semaphore(%dma_wait3A_91 : memref<!tpu.dma_semaphore, #tpu.memory_space<semaphore_mem>>) src(%dma_wait3A_97 : memref<128x64xf32, #tpu.memory_space<vmem>>) dst(%dma_wait3A_93 : memref<128x64xf32, #tpu.memory_space<hbm>>)
    %add3A_98 = arith.constant 25088 : i32
    %add3A_99 = arith.addi %mul3A_2, %add3A_98 : i32
    %dma_wait3A_100 = arith.constant 1 : i32
    %dma_wait3A_101 = arith.constant 1 : i32
    %dma_wait3A_102 = arith.constant 0 : i32
    %dma_wait3A_103 = arith.constant 0 : i32
    %dma_wait3A_104 = tpu.memref_slice %arg7[%dma_wait3A_100, %dma_wait3A_102, %dma_wait3A_103] : memref<5x128x64xf32, #tpu.memory_space<vmem>> -> memref<1x128x64xf32, #tpu.memory_space<vmem>>
    %dma_wait3A_105 = tpu.memref_squeeze %dma_wait3A_104 : memref<1x128x64xf32, #tpu.memory_space<vmem>> -> memref<128x64xf32, #tpu.memory_space<vmem>>
    %dma_wait3A_106 = arith.constant 0 : i32
    %dma_wait3A_107 = tpu.memref_slice %arg4[%add3A_99, %dma_wait3A_106] : memref<819200x128xf32, #tpu.memory_space<hbm>> -> memref<128x64xf32, #tpu.memory_space<hbm>>
    %dma_wait3A_108 = tpu.memref_slice %arg9[%dma_wait3A_101] : memref<5x!tpu.dma_semaphore, #tpu.memory_space<semaphore_mem>> -> memref<1x!tpu.dma_semaphore, #tpu.memory_space<semaphore_mem>>
    %dma_wait3A_109 = tpu.memref_squeeze %dma_wait3A_108 : memref<1x!tpu.dma_semaphore, #tpu.memory_space<semaphore_mem>> -> memref<!tpu.dma_semaphore, #tpu.memory_space<semaphore_mem>>
    %dma_wait3A_110 = arith.constant 0 : i32
    %dma_wait3A_111 = tpu.memref_slice %arg4[%add3A_99, %dma_wait3A_110] : memref<819200x128xf32, #tpu.memory_space<hbm>> -> memref<128x64xf32, #tpu.memory_space<hbm>>
    %dma_wait3A_112 = arith.constant 0 : i32
    %dma_wait3A_113 = arith.constant 0 : i32
    %dma_wait3A_114 = tpu.memref_slice %arg7[%dma_wait3A_100, %dma_wait3A_112, %dma_wait3A_113] : memref<5x128x64xf32, #tpu.memory_space<vmem>> -> memref<1x128x64xf32, #tpu.memory_space<vmem>>
    %dma_wait3A_115 = tpu.memref_squeeze %dma_wait3A_114 : memref<1x128x64xf32, #tpu.memory_space<vmem>> -> memref<128x64xf32, #tpu.memory_space<vmem>>
    tpu.wait_dma2 semaphore(%dma_wait3A_109 : memref<!tpu.dma_semaphore, #tpu.memory_space<semaphore_mem>>) src(%dma_wait3A_115 : memref<128x64xf32, #tpu.memory_space<vmem>>) dst(%dma_wait3A_111 : memref<128x64xf32, #tpu.memory_space<hbm>>)
    %add3A_116 = arith.constant 25216 : i32
    %add3A_117 = arith.addi %mul3A_2, %add3A_116 : i32
    %dma_wait3A_118 = arith.constant 2 : i32
    %dma_wait3A_119 = arith.constant 2 : i32
    %dma_wait3A_120 = arith.constant 0 : i32
    %dma_wait3A_121 = arith.constant 0 : i32
    %dma_wait3A_122 = tpu.memref_slice %arg7[%dma_wait3A_118, %dma_wait3A_120, %dma_wait3A_121] : memref<5x128x64xf32, #tpu.memory_space<vmem>> -> memref<1x128x64xf32, #tpu.memory_space<vmem>>
    %dma_wait3A_123 = tpu.memref_squeeze %dma_wait3A_122 : memref<1x128x64xf32, #tpu.memory_space<vmem>> -> memref<128x64xf32, #tpu.memory_space<vmem>>
    %dma_wait3A_124 = arith.constant 0 : i32
    %dma_wait3A_125 = tpu.memref_slice %arg4[%add3A_117, %dma_wait3A_124] : memref<819200x128xf32, #tpu.memory_space<hbm>> -> memref<128x64xf32, #tpu.memory_space<hbm>>
    %dma_wait3A_126 = tpu.memref_slice %arg9[%dma_wait3A_119] : memref<5x!tpu.dma_semaphore, #tpu.memory_space<semaphore_mem>> -> memref<1x!tpu.dma_semaphore, #tpu.memory_space<semaphore_mem>>
    %dma_wait3A_127 = tpu.memref_squeeze %dma_wait3A_126 : memref<1x!tpu.dma_semaphore, #tpu.memory_space<semaphore_mem>> -> memref<!tpu.dma_semaphore, #tpu.memory_space<semaphore_mem>>
    %dma_wait3A_128 = arith.constant 0 : i32
    %dma_wait3A_129 = tpu.memref_slice %arg4[%add3A_117, %dma_wait3A_128] : memref<819200x128xf32, #tpu.memory_space<hbm>> -> memref<128x64xf32, #tpu.memory_space<hbm>>
    %dma_wait3A_130 = arith.constant 0 : i32
    %dma_wait3A_131 = arith.constant 0 : i32
    %dma_wait3A_132 = tpu.memref_slice %arg7[%dma_wait3A_118, %dma_wait3A_130, %dma_wait3A_131] : memref<5x128x64xf32, #tpu.memory_space<vmem>> -> memref<1x128x64xf32, #tpu.memory_space<vmem>>
    %dma_wait3A_133 = tpu.memref_squeeze %dma_wait3A_132 : memref<1x128x64xf32, #tpu.memory_space<vmem>> -> memref<128x64xf32, #tpu.memory_space<vmem>>
    tpu.wait_dma2 semaphore(%dma_wait3A_127 : memref<!tpu.dma_semaphore, #tpu.memory_space<semaphore_mem>>) src(%dma_wait3A_133 : memref<128x64xf32, #tpu.memory_space<vmem>>) dst(%dma_wait3A_129 : memref<128x64xf32, #tpu.memory_space<hbm>>)
    %add3A_134 = arith.constant 25344 : i32
    %add3A_135 = arith.addi %mul3A_2, %add3A_134 : i32
    %dma_wait3A_136 = arith.constant 3 : i32
    %dma_wait3A_137 = arith.constant 3 : i32
    %dma_wait3A_138 = arith.constant 0 : i32
    %dma_wait3A_139 = arith.constant 0 : i32
    %dma_wait3A_140 = tpu.memref_slice %arg7[%dma_wait3A_136, %dma_wait3A_138, %dma_wait3A_139] : memref<5x128x64xf32, #tpu.memory_space<vmem>> -> memref<1x128x64xf32, #tpu.memory_space<vmem>>
    %dma_wait3A_141 = tpu.memref_squeeze %dma_wait3A_140 : memref<1x128x64xf32, #tpu.memory_space<vmem>> -> memref<128x64xf32, #tpu.memory_space<vmem>>
    %dma_wait3A_142 = arith.constant 0 : i32
    %dma_wait3A_143 = tpu.memref_slice %arg4[%add3A_135, %dma_wait3A_142] : memref<819200x128xf32, #tpu.memory_space<hbm>> -> memref<128x64xf32, #tpu.memory_space<hbm>>
    %dma_wait3A_144 = tpu.memref_slice %arg9[%dma_wait3A_137] : memref<5x!tpu.dma_semaphore, #tpu.memory_space<semaphore_mem>> -> memref<1x!tpu.dma_semaphore, #tpu.memory_space<semaphore_mem>>
    %dma_wait3A_145 = tpu.memref_squeeze %dma_wait3A_144 : memref<1x!tpu.dma_semaphore, #tpu.memory_space<semaphore_mem>> -> memref<!tpu.dma_semaphore, #tpu.memory_space<semaphore_mem>>
    %dma_wait3A_146 = arith.constant 0 : i32
    %dma_wait3A_147 = tpu.memref_slice %arg4[%add3A_135, %dma_wait3A_146] : memref<819200x128xf32, #tpu.memory_space<hbm>> -> memref<128x64xf32, #tpu.memory_space<hbm>>
    %dma_wait3A_148 = arith.constant 0 : i32
    %dma_wait3A_149 = arith.constant 0 : i32
    %dma_wait3A_150 = tpu.memref_slice %arg7[%dma_wait3A_136, %dma_wait3A_148, %dma_wait3A_149] : memref<5x128x64xf32, #tpu.memory_space<vmem>> -> memref<1x128x64xf32, #tpu.memory_space<vmem>>
    %dma_wait3A_151 = tpu.memref_squeeze %dma_wait3A_150 : memref<1x128x64xf32, #tpu.memory_space<vmem>> -> memref<128x64xf32, #tpu.memory_space<vmem>>
    tpu.wait_dma2 semaphore(%dma_wait3A_145 : memref<!tpu.dma_semaphore, #tpu.memory_space<semaphore_mem>>) src(%dma_wait3A_151 : memref<128x64xf32, #tpu.memory_space<vmem>>) dst(%dma_wait3A_147 : memref<128x64xf32, #tpu.memory_space<hbm>>)
    %add3A_152 = arith.constant 25472 : i32
    %add3A_153 = arith.addi %mul3A_2, %add3A_152 : i32
    %dma_wait3A_154 = arith.constant 4 : i32
    %dma_wait3A_155 = arith.constant 4 : i32
    %dma_wait3A_156 = arith.constant 0 : i32
    %dma_wait3A_157 = arith.constant 0 : i32
    %dma_wait3A_158 = tpu.memref_slice %arg7[%dma_wait3A_154, %dma_wait3A_156, %dma_wait3A_157] : memref<5x128x64xf32, #tpu.memory_space<vmem>> -> memref<1x128x64xf32, #tpu.memory_space<vmem>>
    %dma_wait3A_159 = tpu.memref_squeeze %dma_wait3A_158 : memref<1x128x64xf32, #tpu.memory_space<vmem>> -> memref<128x64xf32, #tpu.memory_space<vmem>>
    %dma_wait3A_160 = arith.constant 0 : i32
    %dma_wait3A_161 = tpu.memref_slice %arg4[%add3A_153, %dma_wait3A_160] : memref<819200x128xf32, #tpu.memory_space<hbm>> -> memref<128x64xf32, #tpu.memory_space<hbm>>
    %dma_wait3A_162 = tpu.memref_slice %arg9[%dma_wait3A_155] : memref<5x!tpu.dma_semaphore, #tpu.memory_space<semaphore_mem>> -> memref<1x!tpu.dma_semaphore, #tpu.memory_space<semaphore_mem>>
    %dma_wait3A_163 = tpu.memref_squeeze %dma_wait3A_162 : memref<1x!tpu.dma_semaphore, #tpu.memory_space<semaphore_mem>> -> memref<!tpu.dma_semaphore, #tpu.memory_space<semaphore_mem>>
    %dma_wait3A_164 = arith.constant 0 : i32
    %dma_wait3A_165 = tpu.memref_slice %arg4[%add3A_153, %dma_wait3A_164] : memref<819200x128xf32, #tpu.memory_space<hbm>> -> memref<128x64xf32, #tpu.memory_space<hbm>>
    %dma_wait3A_166 = arith.constant 0 : i32
    %dma_wait3A_167 = arith.constant 0 : i32
    %dma_wait3A_168 = tpu.memref_slice %arg7[%dma_wait3A_154, %dma_wait3A_166, %dma_wait3A_167] : memref<5x128x64xf32, #tpu.memory_space<vmem>> -> memref<1x128x64xf32, #tpu.memory_space<vmem>>
    %dma_wait3A_169 = tpu.memref_squeeze %dma_wait3A_168 : memref<1x128x64xf32, #tpu.memory_space<vmem>> -> memref<128x64xf32, #tpu.memory_space<vmem>>
    tpu.wait_dma2 semaphore(%dma_wait3A_163 : memref<!tpu.dma_semaphore, #tpu.memory_space<semaphore_mem>>) src(%dma_wait3A_169 : memref<128x64xf32, #tpu.memory_space<vmem>>) dst(%dma_wait3A_165 : memref<128x64xf32, #tpu.memory_space<hbm>>)
    return
  }
}

</mosaic_0001>

<sc_bundles>
// kernel: kernel.3.cloned.1.call-start
scs
__scs_entry_jumppad:
0x0: {  	(pc) =	sbr.rel $0x88, $3  }
0x1: {  	(tag) =	ssettag $0x0;
	lr =	simm.s32 $0x1  }
0x2: {  	[smem:$0x3F9F] =	sst lr;
	_ =	strace $0xD0000000  }
0x3: {  	_ = 	snop  }
0x4: {  	_ = 	snop  }
0x5: {  	_ = 	snop  }
0x6: {  	_ = 	snop  }
0x7: {  	_ = 	snop  }
__scs_overlays_trampoline_lowered:
0x8: {  	[smem:$0x3FAE] =	sst s0  }
0x9: {  	[smem:$0x3FAF] =	sst s1  }
0xa: {  	[smem:$0x3FB0] =	sst s2  }
0xb: {  	[smem:$0x3FB1] =	sst s3  }
0xc: {  	[smem:$0x3FB2] =	sst s4  }
0xd: {  	[smem:$0x3FB3] =	sst s5  }
0xe: {  	[smem:$0x3FB4] =	sst s6  }
0xf: {  	[smem:$0x3FB5] =	sst s7  }
0x10: {  	[smem:$0x3FB6] =	sst s8  }
0x11: {  	[smem:$0x3FB7] =	sst s9;
	s0 =	simm.s32 @!p0 $0x0  }
0x12: {  	s1 =	sld [smem:$0x3F9D];
	s0 =	simm.s32 @p0 $0x1  }
0x13: {  	[smem:$0x3FB8] =	sst s0;
	s0 =	simm.s32 @!p1 $0x0  }
0x14: {  	s2 =	sld [smem:$0x3F9C];
	s0 =	simm.s32 @p1 $0x1  }
0x15: {  	[smem:$0x3FB9] =	sst s0;
	s0 =	simm.s32 @!p2 $0x0  }
0x16: {  	s3 =	sld [smem:$0x3FDB];
	s0 =	simm.s32 @p2 $0x1  }
0x17: {  	s4 =	simm.s32 $0x1BF5;
	[smem:$0x3FBB] =	sst s0  }
0x18: {  	s0 =	sld [smem:$0x3F9E];
	_ =	swait.ge [sflag:s4], $0x0  }
0x19: {  	s7 =	sld [smem:$0x3F9F]  }
0x1a: {  	s8 =	sadd.s32 $0xFFFFE003, lr  }
0x1b: {  	s9 =	sadd.s32 $0xFFFFFEF7, lr;
	s5 =	simm.s32 $0xFFFFFFFF;
	p2 =	slt.u32 s8, $0xFFFFF086  }
0x1c: {  	p1 =	slt.u32 s9, $0xF7A;
	s5 =	simm.s32 @!p2 $0x0  }
0x1d: {  	s5 =	simm.s32 @p1 $0x1;
	p0 =	seq.s32 s7, s2  }
0x1e: {  	s7 =	smul.u32 @!p0 $0xF7A, s2;
	p2 =	seq.s32 @!p0 s5, $0x0  }
0x1f: {  	s9 =	smul.u32 $0xF7A, s1;
	s8 =	simm.s32 @!p0 $0x1BF5;
	p2 =	por !p2, p0  }
0x20: {  	[sflag:s8] =	ssyncset.s32 @!p0 $0xFFFFF086;
	s6 =	sadd.s32 @!p0 s3, s7;
	s7 =	simm.s32 @!p0 $0x108  }
0x21: {  	s3 =	sadd.s32 s3, s9;
	s6 =	sadd.s32 @!p0 $0x88, s6;
	s7 =	simm.s32 @p2 $0x1082  }
0x22: {  	[simem:s7], [sflag:s8] =	dma.local @!p0 [hbm:s6], $0xF7A  }
0x23: {  	s9 =	sor.u32 $0xD0000000, s2;
	s6 =	simm.s32 $0x108;
	_ =	swait.ge @!p0 [sflag:s8], $0x0  }
0x24: {  	s3 =	sadd.s32 $0x88, s3;
	s6 =	simm.s32 @!p1 $0x1082;
	[sflag:s4] =	ssyncset.s32 $0xFFFFF086  }
0x25: {  	[simem:s6], [sflag:s4] =	dma.local [hbm:s3], $0xF7A  }
0x26: {  	[smem:$0x3F9F] =	sst s1;
	(tag) =	ssettag s2;
	_ =	strace s9  }
0x27: {  	s1 =	sld [smem:$0x3FAF]  }
0x28: {  	s2 =	sld [smem:$0x3FB0]  }
0x29: {  	s4 =	sld [smem:$0x3FB2]  }
0x2a: {  	p0 =	seq.s32 s5, $0x0;
	s5 =	sld [smem:$0x3FB3]  }
0x2b: {  	s6 =	sld [smem:$0x3FB4]  }
0x2c: {  	s7 =	sld [smem:$0x3FB5]  }
0x2d: {  	s3 =	simm.s32 $0x108;
	s8 =	sld [smem:$0x3FB6]  }
0x2e: {  	s3 =	simm.s32 @!p0 $0x1082;
	s9 =	sld [smem:$0x3FB7]  }
0x2f: {  	lr =	sadd.s32 s0, s3;
	s0 =	sld [smem:$0x3FAE]  }
0x30: {  	s3 =	sld [smem:$0x3FB1]  }
0x31: {  	[smem:$0x3FBA] =	sst s10  }
0x32: {  	s10 =	sld [smem:$0x3FB8];
	_ =	sdelay $0x3  }
0x33: {  	p0 =	seq.s32 s10, $0x1;
	s10 =	sld [smem:$0x3FBA];
	_ =	sdelay $0x3  }
0x34: {  	[smem:$0x3FBA] =	sst s10  }
0x35: {  	s10 =	sld [smem:$0x3FB9];
	_ =	sdelay $0x3  }
0x36: {  	p1 =	seq.s32 s10, $0x1;
	s10 =	sld [smem:$0x3FBA];
	_ =	sdelay $0x3  }
0x37: {  	[smem:$0x3FBA] =	sst s10  }
0x38: {  	s10 =	sld [smem:$0x3FBB]  }
0x39: {  	_ = 	snop;
	(pc) =	sbr.ind lr, $3  }
0x3a: {  	_ = 	snop  }
0x3b: {  	_ = 	snop  }
0x3c: {  	p2 =	seq.s32 s10, $0x1;
	s10 =	sld [smem:$0x3FBA]  }
0x3d: {  	_ =	shalt  }
0x3e: {  	_ =	shalt  }
0x3f: {  	_ =	shalt  }
0x40: {  	_ =	shalt  }
0x41: {  	_ =	shalt  }
0x42: {  	_ =	shalt  }
0x43: {  	_ =	shalt  }
0x44: {  	_ =	shalt  }
0x45: {  	_ =	shalt  }
0x46: {  	_ =	shalt  }
0x47: {  	_ =	shalt  }
0x48: {  	_ =	shalt  }
0x49: {  	_ =	shalt  }
0x4a: {  	_ =	shalt  }
0x4b: {  	_ =	shalt  }
0x4c: {  	_ =	shalt  }
0x4d: {  	_ =	shalt  }
0x4e: {  	_ =	shalt  }
0x4f: {  	_ =	shalt  }
0x50: {  	_ =	shalt  }
0x51: {  	_ =	shalt  }
0x52: {  	_ =	shalt  }
0x53: {  	_ =	shalt  }
0x54: {  	_ =	shalt  }
0x55: {  	_ =	shalt  }
0x56: {  	_ =	shalt  }
0x57: {  	_ =	shalt  }
0x58: {  	_ =	shalt  }
0x59: {  	_ =	shalt  }
0x5a: {  	_ =	shalt  }
0x5b: {  	_ =	shalt  }
0x5c: {  	_ =	shalt  }
0x5d: {  	_ =	shalt  }
0x5e: {  	_ =	shalt  }
0x5f: {  	_ =	shalt  }
0x60: {  	_ =	shalt  }
0x61: {  	_ =	shalt  }
0x62: {  	_ =	shalt  }
0x63: {  	_ =	shalt  }
0x64: {  	_ =	shalt  }
0x65: {  	_ =	shalt  }
0x66: {  	_ =	shalt  }
0x67: {  	_ =	shalt  }
0x68: {  	_ =	shalt  }
0x69: {  	_ =	shalt  }
0x6a: {  	_ =	shalt  }
0x6b: {  	_ =	shalt  }
0x6c: {  	_ =	shalt  }
0x6d: {  	_ =	shalt  }
0x6e: {  	_ =	shalt  }
0x6f: {  	_ =	shalt  }
0x70: {  	_ =	shalt  }
0x71: {  	_ =	shalt  }
0x72: {  	_ =	shalt  }
0x73: {  	_ =	shalt  }
0x74: {  	_ =	shalt  }
0x75: {  	_ =	shalt  }
0x76: {  	_ =	shalt  }
0x77: {  	_ =	shalt  }
0x78: {  	_ =	shalt  }
0x79: {  	_ =	shalt  }
0x7a: {  	_ =	shalt  }
0x7b: {  	_ =	shalt  }
0x7c: {  	_ =	shalt  }
0x7d: {  	_ =	shalt  }
0x7e: {  	_ =	shalt  }
0x7f: {  	_ =	shalt  }
0x80: {  	_ =	shalt  }
0x81: {  	_ =	shalt  }
0x82: {  	_ =	shalt  }
0x83: {  	_ =	shalt  }
0x84: {  	_ =	shalt  }
0x85: {  	_ =	shalt  }
0x86: {  	_ =	shalt  }
0x87: {  	_ =	shalt  }
.Lfunc_end0:
.L_simem_size_0:
called_computation.1_lowered:
.L_overlay_start_0:
0x88: {  	s2 =	sld [smem:$0x3FD9]  }
0x89: {  	s3 =	sld [smem:$0x3FFE];
	_ =	sdelay $0x1  }
0x8a: {  	s1 =	srdreg.scid  }
0x8b: {  	s0 =	sand.u32 $0x1, s1  }
0x8c: {  	s17 =	sshll.u32 s0, $0xA;
	s2 =	sadd.s32 s3, s2  }
0x8d: {  	s2 =	sadd.s32 s2, s17  }
0x8e: {  	[smem:$0x3FC6] =	sst s2  }
0x8f: {  	_ = 	snop  }
0x90: {  	s2 =	sld [smem:$0x3FD0];
	(tm) =	ssettm $0x1  }
0x91: {  	s18 =	sld [smem:$0x3FFB];
	_ =	sdelay $0x3  }
0x92: {  	_ =	strace s18  }
0x93: {  	s3 =	sld [smem:$0x3FFC];
	_ =	sdelay $0x3  }
0x94: {  	_ =	strace s3  }
0x95: {  	s3 =	sld [smem:$0x3FFD];
	_ =	sdelay $0x3  }
0x96: {  	_ =	strace s3  }
0x97: {  	_ =	strace $0x8FFFFFFF  }
0x98: {  	s19 =	sld [smem:$0x3FDB];
	_ =	sdelay $0x1  }
0x99: {  	s4 =	simm.s32 $_scs_section_size  }
0x9a: {  	s5 =	simm.s32 $_size__tile_overlayer_lowered;
	s6 =	simm.s32 $_tile_overlayer_lowered  }
0x9b: {  	s22 =	simm.s32 $0x1BFF;
	s21 =	sshll.u32 s6, $0x1;
	s3 =	sadd.s32 s4, s19  }
0x9c: {  	s7 =	simm.s32 $0x0;
	s20 =	sshll.u32 s5, $0x1;
	s5 =	sadd.s32 s21, s3  }
0x9d: {  	[timem:s7], [sflag:s22] =	dma.local [hbm:s5], s20  }
0x9e: {  	_ =	swait.ge [sflag:s22], s20  }
0x9f: {  	s4 =	ssub.s32 $0x0, s20;
	[sflag:s22] =	ssyncset.done $0x0  }
0xa0: {  	[sflag:s22] =	ssyncadd.s32 s4;
	_ =	sdelay $0x1  }
0xa1: {  	s23 =	simm.s32 $0x1B8B  }
0xa2: {  	_ =	swait.ge [sflag:s23], $0x1  }
0xa3: {  	[sflag:s23] =	ssyncset.done $0x0  }
0xa4: {  	s25 =	simm.s32 $0x1B8E;
	s24 =	sld [smem:$0x3FFE];
	[sflag:s23] =	ssyncadd.s32 $0xFFFFFFFF  }
0xa5: {  	s26 =	simm.s32 $execute0_lowered;
	[smem:$0x3FD2] =	sst s25  }
0xa6: {  	s5 =	sshll.u32 s26, $0x1;
	_ =	strace $0x80000046;
	[dreg:$0x1] =	wrdreg $0xFFFFFFFF  }
0xa7: {  	s28 =	simm.s32 $_size_execute0_lowered;
	s3 =	sadd.s32 s3, s5;
	[dreg:$0x0] =	wrdreg $0x0  }
0xa8: {  	s5 =	sshll.u32 s28, $0x1;
	[dreg:$0x2] =	wrdreg s3  }
0xa9: {  	[dreg:$0x3] =	wrdreg s5  }
0xaa: {  	[dreg:$0x4] =	wrdreg $0xC0  }
0xab: {  	_ =	task [dreg:s7], $0x5FFFF  }
0xac: {  	[dreg:$0x1] =	wrdreg $0xFFFFFFFF  }
0xad: {  	[dreg:$0x0] =	wrdreg $0x60  }
0xae: {  	[dreg:$0x2] =	wrdreg s2  }
0xaf: {  	[dreg:$0x3] =	wrdreg s24  }
0xb0: {  	[dreg:$0x4] =	wrdreg $0x9  }
0xb1: {  	_ =	task.clear_ibuf [dreg:s7], $0x5FFFF;
	_ =	strace $0x90000046  }
0xb2: {  	s29 =	simm.s32 $0x9;
	_ =	strace $0x80000048  }
0xb3: {  	_ =	swait.ge [sflag:s29], $0x1  }
0xb4: {  	[sflag:s29] =	ssyncadd.s32 $0xFFFFFFFF  }
0xb5: {  	_ =	strace $0x90000048  }
0xb6: {  	_ =	sfence  }
0xb7: {  	s30 =	sld [smem:$0x0];
	_ =	sdelay $0x2  }
0xb8: {  	s31 =	sshll.u32 s1, $0xD;
	s1 =	sshrl.u32 s1, $0x2  }
0xb9: {  	s3 =	sand.u32 $0x4000, s31;
	s1 =	sadd.s32 s1, s30  }
0xba: {  	s0 =	sor.u32 s3, s0;
	s1 =	sshll.u32 s1, $0x11  }
0xbb: {  	s0 =	sor.u32 s1, s0  }
0xbc: {  	s0 =	sadd.s32 $0x8F2B, s0  }
0xbd: {  	[sflag:s0] =	ssyncadd.remote.s32 $0x1  }
0xbe: {  	_ =	sfence.sel $0xFFFF  }
0xbf: {  	[dreg:$0x0] =	wrdreg $0xFFFFFFFF;
	(pc) =	sbr.abs _section_cstart, $3  }
0xc0: {  	[dreg:$0x1] =	wrdreg $0xFFFFFFFF  }
0xc1: {  	_ =	task.clear_ibuf [dreg:s7], $0x2FFFF;
	_ =	strace $0x9FFFFFFF  }
0xc2: {  	(tm) =	ssettm $0x7FFFFFFF  }
0xc3: {  	_ =	shalt  }
tec
execute0_lowered:
.L_overlay_start_1:
0x0: {  	(tag) =	ssettag $0x1  }
0x1: {  	s0 =	rddreg [dreg:$0x0]  }
0x2: {  	s1 =	rddreg [dreg:$0x1]  }
0x3: {  	s2 =	srdreg.scid;
	s3 =	stileid.u32  }
0x4: {  	s4 =	simm.s32 $0x0;
	s13 =	simm.s32 $0x80;
	s22 =	simm.s32 $0x1  }
0x5: {  	s23 =	simm.s32 $0x40;
	s28 =	simm.s32 $0x3;
	s29 =	simm.s32 $0x14400  }
0x6: {  	s30 =	simm.s32 $0x4;
	s31 =	simm.s32 $0x16400;
	s16 =	simm.s32 $0x8  }
0x7: {  	s17 =	simm.s32 $0x9;
	s18 =	simm.s32 $0xA;
	s19 =	simm.s32 $0x0  }
0x8: {  	s15 =	simm.s32 $0x84F0;
	s2 =	sand.u32 $0x1, s2;
	s3 =	sshll.u32 s3, $0x1  }
0x9: {  	[smem:$0x7FF] =	sst s4;
	s4 =	sadd.s32 $0xF42E00, s1;
	s5 =	sor.u32 s2, s3  }
0xa: {  	_ =	strace $0x80000047;
	s2 =	ssub.s32 $0x2, s2;
	s3 =	smul.u32 $0x6400, s5  }
0xb: {  	s6 =	sshrl.u32 s2, $0x1;
	s10 =	smul.u32 $0x320000, s5;
	s5 =	sadd.s32 $0xA00, s1  }
0xc: {  	s1 =	simm.s32 $0x18400;
	s24 =	ssub.s32 s2, s6;
	s25 =	sshrl.u32 s3, $0x3  }
0xd: {  	s7 =	sor.u32 $0x4000, s10;
	s8 =	sor.u32 $0x8000, s10;
	s9 =	sor.u32 $0xC000, s10  }
0xe: {  	s10 =	sor.u32 $0x10000, s10;
	s26 =	smax.u32 s24, $0x1;
	s24 =	simm.s32 $0x10400  }
0xf: {  	s0 =	sadd.s32 s0, s25;
	[dreg:$0x4] =	wrdreg s26;
	s25 =	simm.s32 $0x2  }
0x10: {  	s26 =	simm.s32 $0x12400;
	[dreg:$0x3] =	wrdreg s0;
	s0 =	simm.s32 $0x5  }
.LBB2_1:
0x11: {  	s2 =	simm.s32 $0x0;
	s6 =	rddreg [dreg:$0x3];
	s14 =	simm.s32 $0xB  }
0x12: {  	[tilespmem:s2], [sflag:$0xB] =	stream.linear.gather [hbm4b:s6+s2], $0x6400, $0x38;
	[tilespmem:$0x1A400] =	vst v63  }
0x13: {  	_ =	swait.ge [sflag:s14], $0x6400  }
0x14: {  	[sflag:s14] =	ssyncset.done $0x0  }
0x15: {  	s20 =	simm.s32 $0x6400;
	[sflag:s14] =	ssyncadd.s32 $0xFFFF9C00  }
0x16: {  	[tilespmem:s20], [sflag:$0x1] =	stream.indirect.gather [hbm4b:s4+s13], $0x40, s2, s13, $0xb8;
	[tilespmem:$0x1A400] =	vst v63  }
0x17: {  	s21 =	simm.s32 $0x8400  }
0x18: {  	[tilespmem:s21], [sflag:$0x2] =	stream.indirect.gather [hbm4b:s4+s13], $0x40, s13, s13, $0xb8;
	[tilespmem:$0x1A400] =	vst v63  }
0x19: {  	s11 =	simm.s32 $0xA400;
	s6 =	simm.s32 $0x100  }
0x1a: {  	[tilespmem:s11], [sflag:$0x3] =	stream.indirect.gather [hbm4b:s4+s13], $0x40, s6, s13, $0xb8;
	[tilespmem:$0x1A400] =	vst v63  }
0x1b: {  	s12 =	simm.s32 $0x180;
	s14 =	simm.s32 $0xC400  }
0x1c: {  	[tilespmem:s14], [sflag:$0x4] =	stream.indirect.gather [hbm4b:s4+s13], $0x40, s12, s13, $0xb8;
	[tilespmem:$0x1A400] =	vst v63  }
0x1d: {  	s20 =	simm.s32 $0x200;
	s21 =	simm.s32 $0xE400  }
0x1e: {  	[tilespmem:s21], [sflag:$0x5] =	stream.indirect.gather [hbm4b:s4+s13], $0x40, s20, s13, $0xb8;
	[tilespmem:$0x1A400] =	vst v63  }
0x1f: {  	s20 =	simm.s32 $0x0  }
.LBB2_2:
0x20: {  	_ =	swait.ge [sflag:s22], $0x2000  }
0x21: {  	p0 =	seq.s32 s20, $0x0;
	[sflag:s22] =	ssyncset.done $0x0  }
0x22: {  	s2 =	simm.s32 @!p0 $0x6;
	[sflag:s22] =	ssyncadd.s32 $0xFFFFE000  }
0x23: {  	_ =	swait.ge @!p0 [sflag:s2], $0x2000  }
0x24: {  	[sflag:s2] =	ssyncset.done @!p0 $0x0  }
0x25: {  	s14 =	simm.s32 $0x6480;
	[sflag:s2] =	ssyncadd.s32 @!p0 $0xFFFFE000  }
0x26: {  	v0 =	vld [tilespmem:s14+$0x40];
	_ =	sdelay $0x3  }
0x27: {  	v1 =	vld [tilespmem:s14+$0xFFFFFF80]  }
0x28: {  	v2 =	vld [tilespmem:s14+$0xFFFFFFC0];
	v0 =	vmul.f32 $8.000000000e+00, v0  }
0x29: {  	s2 =	simm.s32 $0x10480;
	v3 =	vld [tilespmem:s14+$0x0]  }
0x2a: {  	[tilespmem:s2+$0x40] =	vst v0  }
0x2b: {  	v0 =	vld [tilespmem:s14+$0x50]  }
0x2c: {  	v1 =	vmul.f32 $8.000000000e+00, v1  }
0x2d: {  	v2 =	vmul.f32 $8.000000000e+00, v2  }
0x2e: {  	v3 =	vmul.f32 $8.000000000e+00, v3;
	[tilespmem:s2+$0xFFFFFF80] =	vst v1  }
0x2f: {  	[tilespmem:s2+$0xFFFFFFC0] =	vst v2;
	v1 =	vld [tilespmem:s14+$0xFFFFFF90]  }
0x30: {  	[tilespmem:s2+$0x0] =	vst v3;
	v2 =	vld [tilespmem:s14+$0xFFFFFFD0];
	v0 =	vmul.f32 $8.000000000e+00, v0  }
0x31: {  	s21 =	simm.s32 $0x6580;
	v3 =	vld [tilespmem:s14+$0x10]  }
0x32: {  	[tilespmem:s2+$0x50] =	vst v0;
	v0 =	vld [tilespmem:s21+$0x40]  }
0x33: {  	v4 =	vld [tilespmem:s14+$0x60]  }
0x34: {  	v5 =	vld [tilespmem:s21+$0xFFFFFFC0];
	v1 =	vmul.f32 $8.000000000e+00, v1  }
0x35: {  	v6 =	vld [tilespmem:s21+$0x0];
	v2 =	vmul.f32 $8.000000000e+00, v2  }
0x36: {  	v3 =	vmul.f32 $8.000000000e+00, v3;
	[tilespmem:s2+$0xFFFFFF90] =	vst v1;
	v1 =	vld [tilespmem:s21+$0xFFFFFF80]  }
0x37: {  	[tilespmem:s2+$0xFFFFFFD0] =	vst v2;
	v2 =	vld [tilespmem:s14+$0xFFFFFFA0];
	v0 =	vmul.f32 $8.000000000e+00, v0  }
0x38: {  	s6 =	simm.s32 $0x10580;
	[tilespmem:s2+$0x10] =	vst v3;
	v7 =	vld [tilespmem:s14+$0xFFFFFFE0];
	v3 =	vmul.f32 $8.000000000e+00, v4  }
0x39: {  	v4 =	vmul.f32 $8.000000000e+00, v5;
	[tilespmem:s6+$0x40] =	vst v0;
	v0 =	vld [tilespmem:s14+$0x20]  }
0x3a: {  	v5 =	vmul.f32 $8.000000000e+00, v6;
	v6 =	vld [tilespmem:s21+$0x50];
	[tilespmem:s2+$0x60] =	vst v3  }
0x3b: {  	v1 =	vmul.f32 $8.000000000e+00, v1;
	[tilespmem:s6+$0xFFFFFFC0] =	vst v4;
	v8 =	vld [tilespmem:s14+$0x70]  }
0x3c: {  	v2 =	vmul.f32 $8.000000000e+00, v2;
	[tilespmem:s6+$0x0] =	vst v5;
	v9 =	vld [tilespmem:s21+$0xFFFFFFD0]  }
0x3d: {  	[tilespmem:s6+$0xFFFFFF80] =	vst v1;
	v5 =	vmul.f32 $8.000000000e+00, v7;
	v3 =	vld [tilespmem:s21+$0x10]  }
0x3e: {  	v4 =	vld [tilespmem:s21+$0xFFFFFF90];
	[tilespmem:s2+$0xFFFFFFA0] =	vst v2;
	v2 =	vmul.f32 $8.000000000e+00, v0  }
0x3f: {  	v1 =	vld [tilespmem:s14+$0xFFFFFFB0];
	[tilespmem:s2+$0xFFFFFFE0] =	vst v5;
	v7 =	vmul.f32 $8.000000000e+00, v6  }
0x40: {  	v0 =	vld [tilespmem:s14+$0xFFFFFFF0];
	[tilespmem:s2+$0x20] =	vst v2;
	v5 =	vmul.f32 $8.000000000e+00, v8  }
0x41: {  	s11 =	simm.s32 $0x4;
	s12 =	simm.s32 $0x6680;
	v6 =	vmul.f32 $8.000000000e+00, v9;
	[tilespmem:s6+$0x50] =	vst v7;
	v2 =	vld [tilespmem:s14+$0x30]  }
.LBB2_3:
0x42: {  	v7 =	vld [tilespmem:s12+$0x40];
	v3 =	vmul.f32 $8.000000000e+00, v3;
	[tilespmem:s2+$0x70] =	vst v5  }
0x43: {  	s11 =	sadd.s32 $0x4, s11;
	v4 =	vmul.f32 $8.000000000e+00, v4;
	[tilespmem:s6+$0xFFFFFFD0] =	vst v6;
	v5 =	vld [tilespmem:s21+$0x60]  }
0x44: {  	p1 =	slt.u32 s11, $0x7C;
	v6 =	vld [tilespmem:s12+$0xFFFFFFC0];
	[tilespmem:s6+$0x10] =	vst v3;
	v1 =	vmul.f32 $8.000000000e+00, v1  }
0x45: {  	v3 =	vld [tilespmem:s12+$0x0];
	[tilespmem:s6+$0xFFFFFF90] =	vst v4;
	v0 =	vmul.f32 $8.000000000e+00, v0  }
0x46: {  	v4 =	vld [tilespmem:s12+$0xFFFFFF80];
	[tilespmem:s2+$0xFFFFFFB0] =	vst v1;
	v1 =	vmul.f32 $8.000000000e+00, v2  }
0x47: {  	v2 =	vmul.f32 $8.000000000e+00, v7;
	v7 =	vld [tilespmem:s21+$0xFFFFFFA0];
	[tilespmem:s2+$0xFFFFFFF0] =	vst v0  }
0x48: {  	v0 =	vld [tilespmem:s21+$0xFFFFFFE0];
	v5 =	vmul.f32 $8.000000000e+00, v5;
	[tilespmem:s2+$0x30] =	vst v1;
	s2 =	smov.u32 s6;
	s6 =	sadd.s32 $0x100, s6  }
0x49: {  	v1 =	vmul.f32 $8.000000000e+00, v6;
	[tilespmem:s6+$0x40] =	vst v2;
	v2 =	vld [tilespmem:s21+$0x20]  }
0x4a: {  	v3 =	vmul.f32 $8.000000000e+00, v3;
	v6 =	vld [tilespmem:s12+$0x50];
	[tilespmem:s2+$0x60] =	vst v5  }
0x4b: {  	v4 =	vmul.f32 $8.000000000e+00, v4;
	[tilespmem:s6+$0xFFFFFFC0] =	vst v1;
	v5 =	vld [tilespmem:s21+$0x70]  }
0x4c: {  	v8 =	vld [tilespmem:s12+$0xFFFFFFD0];
	[tilespmem:s6+$0x0] =	vst v3;
	v1 =	vmul.f32 $8.000000000e+00, v7  }
.Ltmp0:
0x4d: {  	[tilespmem:s6+$0xFFFFFF80] =	vst v4;
	v3 =	vld [tilespmem:s12+$0x10];
	v0 =	vmul.f32 $8.000000000e+00, v0;
	(pc) =	sbr.rel @p1 .LBB2_3-.Ltmp0, $4  }
0x4e: {  	v4 =	vld [tilespmem:s12+$0xFFFFFF90];
	[tilespmem:s2+$0xFFFFFFA0] =	vst v1;
	v2 =	vmul.f32 $8.000000000e+00, v2  }
0x4f: {  	v7 =	vmul.f32 $8.000000000e+00, v6;
	v1 =	vld [tilespmem:s21+$0xFFFFFFB0];
	[tilespmem:s2+$0xFFFFFFE0] =	vst v0  }
0x50: {  	v0 =	vld [tilespmem:s21+$0xFFFFFFF0];
	[tilespmem:s2+$0x20] =	vst v2;
	v5 =	vmul.f32 $8.000000000e+00, v5  }
0x51: {  	v6 =	vmul.f32 $8.000000000e+00, v8;
	[tilespmem:s6+$0x50] =	vst v7;
	v2 =	vld [tilespmem:s21+$0x30];
	s21 =	smov.u32 s12;
	s12 =	sadd.s32 $0x100, s12  }
0x52: {  	_ = 	snop  }
0x53: {  	v4 =	vmul.f32 $8.000000000e+00, v4;
	_ =	sdelay $0x1  }
0x54: {  	v3 =	vmul.f32 $8.000000000e+00, v3;
	v7 =	vld [tilespmem:s21+$0x60];
	[tilespmem:s6+$0xFFFFFF90] =	vst v4  }
0x55: {  	[tilespmem:s6+$0xFFFFFFD0] =	vst v6;
	v4 =	vld [tilespmem:s21+$0xFFFFFFA0]  }
0x56: {  	[tilespmem:s6+$0x10] =	vst v3;
	v3 =	vld [tilespmem:s21+$0xFFFFFFE0]  }
0x57: {  	v6 =	vld [tilespmem:s21+$0x20];
	_ =	sdelay $0x1  }
0x58: {  	v7 =	vmul.f32 $8.000000000e+00, v7  }
0x59: {  	v4 =	vmul.f32 $8.000000000e+00, v4  }
0x5a: {  	[tilespmem:s6+$0x60] =	vst v7;
	v3 =	vmul.f32 $8.000000000e+00, v3  }
0x5b: {  	v7 =	vld [tilespmem:s21+$0x70];
	[tilespmem:s6+$0xFFFFFFA0] =	vst v4;
	v4 =	vmul.f32 $8.000000000e+00, v6  }
0x5c: {  	[tilespmem:s6+$0xFFFFFFE0] =	vst v3;
	v6 =	vld [tilespmem:s21+$0xFFFFFFB0]  }
0x5d: {  	v1 =	vmul.f32 $8.000000000e+00, v1;
	v3 =	vld [tilespmem:s21+$0xFFFFFFF0];
	[tilespmem:s6+$0x20] =	vst v4  }
0x5e: {  	[tilespmem:s2+$0x70] =	vst v5;
	v0 =	vmul.f32 $8.000000000e+00, v0;
	v4 =	vld [tilespmem:s21+$0x30]  }
0x5f: {  	[tilespmem:s2+$0xFFFFFFB0] =	vst v1;
	v1 =	vmul.f32 $8.000000000e+00, v2  }
0x60: {  	[tilespmem:s2+$0xFFFFFFF0] =	vst v0;
	v0 =	vmul.f32 $8.000000000e+00, v7  }
0x61: {  	p1 =	seq.s32 s20, $0x27;
	[tilespmem:s2+$0x30] =	vst v1;
	v1 =	vmul.f32 $8.000000000e+00, v6  }
0x62: {  	s2 =	smul.u32 @!p1 $0xA00, s20;
	[tilespmem:s6+$0x70] =	vst v0;
	v0 =	vmul.f32 $8.000000000e+00, v3  }
0x63: {  	s12 =	smul.u32 $0x280, s20;
	[tilespmem:s6+$0xFFFFFFB0] =	vst v1;
	v1 =	vmul.f32 $8.000000000e+00, v4  }
0x64: {  	s11 =	simm.s32 @!p1 $0x6400;
	s21 =	sshra.s32 @!p1 s2, $0x2;
	[tilespmem:s6+$0xFFFFFFF0] =	vst v0  }
0x65: {  	s14 =	sadd.s32 s3, s12;
	s2 =	sadd.s32 @!p1 $0x280, s21;
	[tilespmem:s6+$0x30] =	vst v1;
	s6 =	simm.s32 @!p1 $0x80  }
0x66: {  	[tilespmem:s11], [sflag:$0x1] =	stream.indirect.gather @!p1 [hbm4b:s4+s6], $0x40, s2, s6, $0xb8;
	[tilespmem:$0x1A400] =	vst v63  }
0x67: {  	s2 =	sshll.u32 s14, $0x4  }
0x68: {  	s2 =	sadd.s32 s5, s2  }
0x69: {  	[hbm4b:s2+s23] =	stream.strided.scatter [tilespmem:s24], [sflag:$0x6], $0x2000, s13, s23, $0x38;
	[tilespmem:$0x1A400] =	vst v63  }
0x6a: {  	_ =	swait.ge [sflag:s25], $0x2000  }
0x6b: {  	[sflag:s25] =	ssyncset.done $0x0  }
0x6c: {  	s2 =	simm.s32 @!p0 $0x7;
	[sflag:s25] =	ssyncadd.s32 $0xFFFFE000  }
0x6d: {  	_ =	swait.ge @!p0 [sflag:s2], $0x2000  }
0x6e: {  	[sflag:s2] =	ssyncset.done @!p0 $0x0  }
0x6f: {  	[sflag:s2] =	ssyncadd.s32 @!p0 $0xFFFFE000  }
0x70: {  	v0 =	vld [tilespmem:s15+$0xFFFFFFD0];
	_ =	sdelay $0x3  }
0x71: {  	v1 =	vld [tilespmem:s15+$0xFFFFFF10]  }
0x72: {  	v2 =	vld [tilespmem:s15+$0xFFFFFF50];
	v0 =	vmul.f32 $8.000000000e+00, v0  }
0x73: {  	s2 =	simm.s32 $0x124F0;
	v3 =	vld [tilespmem:s15+$0xFFFFFF90]  }
0x74: {  	[tilespmem:s2+$0xFFFFFFD0] =	vst v0  }
0x75: {  	v0 =	vld [tilespmem:s15+$0xFFFFFFE0]  }
0x76: {  	v1 =	vmul.f32 $8.000000000e+00, v1  }
0x77: {  	v2 =	vmul.f32 $8.000000000e+00, v2  }
0x78: {  	v3 =	vmul.f32 $8.000000000e+00, v3;
	[tilespmem:s2+$0xFFFFFF10] =	vst v1  }
0x79: {  	[tilespmem:s2+$0xFFFFFF50] =	vst v2;
	v1 =	vld [tilespmem:s15+$0xFFFFFF20]  }
0x7a: {  	[tilespmem:s2+$0xFFFFFF90] =	vst v3;
	v2 =	vld [tilespmem:s15+$0xFFFFFF60];
	v0 =	vmul.f32 $8.000000000e+00, v0  }
0x7b: {  	s6 =	simm.s32 $0x85F0;
	v3 =	vld [tilespmem:s15+$0xFFFFFFA0]  }
0x7c: {  	[tilespmem:s2+$0xFFFFFFE0] =	vst v0;
	v0 =	vld [tilespmem:s6+$0xFFFFFFD0]  }
0x7d: {  	v4 =	vld [tilespmem:s15+$0xFFFFFFF0]  }
0x7e: {  	v5 =	vld [tilespmem:s6+$0xFFFFFF50];
	v1 =	vmul.f32 $8.000000000e+00, v1  }
0x7f: {  	v6 =	vld [tilespmem:s6+$0xFFFFFF90];
	v2 =	vmul.f32 $8.000000000e+00, v2  }
0x80: {  	v3 =	vmul.f32 $8.000000000e+00, v3;
	[tilespmem:s2+$0xFFFFFF20] =	vst v1;
	v1 =	vld [tilespmem:s6+$0xFFFFFF10]  }
0x81: {  	[tilespmem:s2+$0xFFFFFF60] =	vst v2;
	v2 =	vld [tilespmem:s15+$0xFFFFFF30];
	v0 =	vmul.f32 $8.000000000e+00, v0  }
0x82: {  	s11 =	simm.s32 $0x125F0;
	[tilespmem:s2+$0xFFFFFFA0] =	vst v3;
	v7 =	vld [tilespmem:s15+$0xFFFFFF70];
	v3 =	vmul.f32 $8.000000000e+00, v4  }
0x83: {  	v4 =	vmul.f32 $8.000000000e+00, v5;
	[tilespmem:s11+$0xFFFFFFD0] =	vst v0;
	v0 =	vld [tilespmem:s15+$0xFFFFFFB0]  }
0x84: {  	v5 =	vmul.f32 $8.000000000e+00, v6;
	v6 =	vld [tilespmem:s6+$0xFFFFFFE0];
	[tilespmem:s2+$0xFFFFFFF0] =	vst v3  }
0x85: {  	v1 =	vmul.f32 $8.000000000e+00, v1;
	[tilespmem:s11+$0xFFFFFF50] =	vst v4;
	v8 =	vld [tilespmem:s15+$0x0]  }
0x86: {  	v2 =	vmul.f32 $8.000000000e+00, v2;
	[tilespmem:s11+$0xFFFFFF90] =	vst v5;
	v9 =	vld [tilespmem:s6+$0xFFFFFF60]  }
0x87: {  	[tilespmem:s11+$0xFFFFFF10] =	vst v1;
	v5 =	vmul.f32 $8.000000000e+00, v7;
	v3 =	vld [tilespmem:s6+$0xFFFFFFA0]  }
0x88: {  	v4 =	vld [tilespmem:s6+$0xFFFFFF20];
	[tilespmem:s2+$0xFFFFFF30] =	vst v2;
	v2 =	vmul.f32 $8.000000000e+00, v0  }
0x89: {  	v1 =	vld [tilespmem:s15+$0xFFFFFF40];
	[tilespmem:s2+$0xFFFFFF70] =	vst v5;
	v7 =	vmul.f32 $8.000000000e+00, v6  }
0x8a: {  	v0 =	vld [tilespmem:s15+$0xFFFFFF80];
	[tilespmem:s2+$0xFFFFFFB0] =	vst v2;
	v5 =	vmul.f32 $8.000000000e+00, v8  }
0x8b: {  	s12 =	simm.s32 $0x4;
	s14 =	simm.s32 $0x86F0;
	v6 =	vmul.f32 $8.000000000e+00, v9;
	[tilespmem:s11+$0xFFFFFFE0] =	vst v7;
	v2 =	vld [tilespmem:s15+$0xFFFFFFC0]  }
.LBB2_5:
0x8c: {  	v7 =	vld [tilespmem:s14+$0xFFFFFFD0];
	v3 =	vmul.f32 $8.000000000e+00, v3;
	[tilespmem:s2+$0x0] =	vst v5  }
0x8d: {  	s12 =	sadd.s32 $0x4, s12;
	v4 =	vmul.f32 $8.000000000e+00, v4;
	[tilespmem:s11+$0xFFFFFF60] =	vst v6;
	v5 =	vld [tilespmem:s6+$0xFFFFFFF0]  }
0x8e: {  	p2 =	slt.u32 s12, $0x7C;
	v6 =	vld [tilespmem:s14+$0xFFFFFF50];
	[tilespmem:s11+$0xFFFFFFA0] =	vst v3;
	v1 =	vmul.f32 $8.000000000e+00, v1  }
0x8f: {  	v3 =	vld [tilespmem:s14+$0xFFFFFF90];
	[tilespmem:s11+$0xFFFFFF20] =	vst v4;
	v0 =	vmul.f32 $8.000000000e+00, v0  }
0x90: {  	v4 =	vld [tilespmem:s14+$0xFFFFFF10];
	[tilespmem:s2+$0xFFFFFF40] =	vst v1;
	v1 =	vmul.f32 $8.000000000e+00, v2  }
0x91: {  	v2 =	vmul.f32 $8.000000000e+00, v7;
	v7 =	vld [tilespmem:s6+$0xFFFFFF30];
	[tilespmem:s2+$0xFFFFFF80] =	vst v0  }
0x92: {  	v0 =	vld [tilespmem:s6+$0xFFFFFF70];
	v5 =	vmul.f32 $8.000000000e+00, v5;
	[tilespmem:s2+$0xFFFFFFC0] =	vst v1;
	s2 =	smov.u32 s11;
	s11 =	sadd.s32 $0x100, s11  }
0x93: {  	v1 =	vmul.f32 $8.000000000e+00, v6;
	[tilespmem:s11+$0xFFFFFFD0] =	vst v2;
	v2 =	vld [tilespmem:s6+$0xFFFFFFB0]  }
0x94: {  	v3 =	vmul.f32 $8.000000000e+00, v3;
	v6 =	vld [tilespmem:s14+$0xFFFFFFE0];
	[tilespmem:s2+$0xFFFFFFF0] =	vst v5  }
0x95: {  	v4 =	vmul.f32 $8.000000000e+00, v4;
	[tilespmem:s11+$0xFFFFFF50] =	vst v1;
	v5 =	vld [tilespmem:s6+$0x0]  }
0x96: {  	v8 =	vld [tilespmem:s14+$0xFFFFFF60];
	[tilespmem:s11+$0xFFFFFF90] =	vst v3;
	v1 =	vmul.f32 $8.000000000e+00, v7  }
.Ltmp1:
0x97: {  	[tilespmem:s11+$0xFFFFFF10] =	vst v4;
	v3 =	vld [tilespmem:s14+$0xFFFFFFA0];
	v0 =	vmul.f32 $8.000000000e+00, v0;
	(pc) =	sbr.rel @p2 .LBB2_5-.Ltmp1, $4  }
0x98: {  	v4 =	vld [tilespmem:s14+$0xFFFFFF20];
	[tilespmem:s2+$0xFFFFFF30] =	vst v1;
	v2 =	vmul.f32 $8.000000000e+00, v2  }
0x99: {  	v7 =	vmul.f32 $8.000000000e+00, v6;
	v1 =	vld [tilespmem:s6+$0xFFFFFF40];
	[tilespmem:s2+$0xFFFFFF70] =	vst v0  }
0x9a: {  	v0 =	vld [tilespmem:s6+$0xFFFFFF80];
	[tilespmem:s2+$0xFFFFFFB0] =	vst v2;
	v5 =	vmul.f32 $8.000000000e+00, v5  }
0x9b: {  	v6 =	vmul.f32 $8.000000000e+00, v8;
	[tilespmem:s11+$0xFFFFFFE0] =	vst v7;
	v2 =	vld [tilespmem:s6+$0xFFFFFFC0];
	s6 =	smov.u32 s14;
	s14 =	sadd.s32 $0x100, s14  }
0x9c: {  	_ = 	snop  }
0x9d: {  	v4 =	vmul.f32 $8.000000000e+00, v4;
	_ =	sdelay $0x1  }
0x9e: {  	v3 =	vmul.f32 $8.000000000e+00, v3;
	v7 =	vld [tilespmem:s6+$0xFFFFFFF0];
	[tilespmem:s11+$0xFFFFFF20] =	vst v4  }
0x9f: {  	[tilespmem:s11+$0xFFFFFF60] =	vst v6;
	v4 =	vld [tilespmem:s6+$0xFFFFFF30]  }
0xa0: {  	[tilespmem:s11+$0xFFFFFFA0] =	vst v3;
	v3 =	vld [tilespmem:s6+$0xFFFFFF70]  }
0xa1: {  	v6 =	vld [tilespmem:s6+$0xFFFFFFB0];
	_ =	sdelay $0x1  }
0xa2: {  	v7 =	vmul.f32 $8.000000000e+00, v7  }
0xa3: {  	v4 =	vmul.f32 $8.000000000e+00, v4  }
0xa4: {  	[tilespmem:s11+$0xFFFFFFF0] =	vst v7;
	v3 =	vmul.f32 $8.000000000e+00, v3  }
0xa5: {  	v7 =	vld [tilespmem:s6+$0x0];
	[tilespmem:s11+$0xFFFFFF30] =	vst v4;
	v4 =	vmul.f32 $8.000000000e+00, v6  }
0xa6: {  	[tilespmem:s11+$0xFFFFFF70] =	vst v3;
	v6 =	vld [tilespmem:s6+$0xFFFFFF40]  }
0xa7: {  	v1 =	vmul.f32 $8.000000000e+00, v1;
	v3 =	vld [tilespmem:s6+$0xFFFFFF80];
	[tilespmem:s11+$0xFFFFFFB0] =	vst v4  }
0xa8: {  	[tilespmem:s2+$0x0] =	vst v5;
	v0 =	vmul.f32 $8.000000000e+00, v0;
	v4 =	vld [tilespmem:s6+$0xFFFFFFC0]  }
0xa9: {  	[tilespmem:s2+$0xFFFFFF40] =	vst v1;
	v1 =	vmul.f32 $8.000000000e+00, v2  }
0xaa: {  	[tilespmem:s2+$0xFFFFFF80] =	vst v0;
	v0 =	vmul.f32 $8.000000000e+00, v7  }
0xab: {  	[tilespmem:s2+$0xFFFFFFC0] =	vst v1;
	v1 =	vmul.f32 $8.000000000e+00, v6  }
0xac: {  	[tilespmem:s11+$0x0] =	vst v0;
	v0 =	vmul.f32 $8.000000000e+00, v3  }
0xad: {  	s2 =	smul.u32 $0x14000, s20;
	[tilespmem:s11+$0xFFFFFF40] =	vst v1;
	v1 =	vmul.f32 $8.000000000e+00, v4  }
0xae: {  	s12 =	simm.s32 @!p1 $0x8400;
	[tilespmem:s11+$0xFFFFFF80] =	vst v0  }
0xaf: {  	s14 =	sadd.s32 s7, s2;
	s6 =	sadd.s32 @!p1 $0x300, s21;
	[tilespmem:s11+$0xFFFFFFC0] =	vst v1;
	s11 =	simm.s32 @!p1 $0x80  }
0xb0: {  	[tilespmem:s12], [sflag:$0x2] =	stream.indirect.gather @!p1 [hbm4b:s4+s11], $0x40, s6, s11, $0xb8;
	[tilespmem:$0x1A400] =	vst v63  }
0xb1: {  	s6 =	sshrl.u32 s14, $0x3  }
0xb2: {  	s6 =	sadd.s32 s5, s6  }
0xb3: {  	[hbm4b:s6+s23] =	stream.strided.scatter [tilespmem:s26], [sflag:$0x7], $0x2000, s13, s23, $0x38;
	[tilespmem:$0x1A400] =	vst v63  }
0xb4: {  	_ =	swait.ge [sflag:s28], $0x2000  }
0xb5: {  	[sflag:s28] =	ssyncset.done $0x0  }
0xb6: {  	s6 =	simm.s32 @!p0 $0x8;
	[sflag:s28] =	ssyncadd.s32 $0xFFFFE000  }
0xb7: {  	_ =	swait.ge @!p0 [sflag:s6], $0x2000  }
0xb8: {  	[sflag:s6] =	ssyncset.done @!p0 $0x0  }
0xb9: {  	[sflag:s6] =	ssyncadd.s32 @!p0 $0xFFFFE000;
	s6 =	simm.s32 $0x0  }
0xba: {  	v0 =	vld [tilespmem:s6+$0xA4F0]  }
0xbb: {  	v1 =	vld [tilespmem:s6+$0xA400]  }
0xbc: {  	v2 =	vld [tilespmem:s6+$0xA410]  }
0xbd: {  	v3 =	vld [tilespmem:s6+$0xA420]  }
0xbe: {  	v7 =	vld [tilespmem:s6+$0xA460]  }
0xbf: {  	v4 =	vld [tilespmem:s6+$0xA430]  }
0xc0: {  	v0 =	vmul.f32 $8.000000000e+00, v0  }
0xc1: {  	v5 =	vld [tilespmem:s6+$0xA440];
	v1 =	vmul.f32 $8.000000000e+00, v1  }
0xc2: {  	v6 =	vld [tilespmem:s6+$0xA450];
	v2 =	vmul.f32 $8.000000000e+00, v2;
	[tilespmem:s6+$0x144F0] =	vst v0  }
0xc3: {  	v8 =	vld [tilespmem:s6+$0xA470];
	v7 =	vmul.f32 $8.000000000e+00, v7;
	[tilespmem:s6+$0x14400] =	vst v1  }
0xc4: {  	v0 =	vmul.f32 $8.000000000e+00, v3;
	[tilespmem:s6+$0x14410] =	vst v2;
	v1 =	vmul.f32 $8.000000000e+00, v4;
	v4 =	vld [tilespmem:s6+$0xA480]  }
0xc5: {  	v3 =	vld [tilespmem:s6+$0xA490];
	[tilespmem:s6+$0x14460] =	vst v7  }
0xc6: {  	v2 =	vmul.f32 $8.000000000e+00, v5;
	[tilespmem:s6+$0x14420] =	vst v0;
	v0 =	vld [tilespmem:s6+$0xA4A0]  }
0xc7: {  	v5 =	vmul.f32 $8.000000000e+00, v6;
	[tilespmem:s6+$0x14430] =	vst v1;
	v1 =	vld [tilespmem:s6+$0xA4B0]  }
0xc8: {  	v6 =	vmul.f32 $8.000000000e+00, v8;
	[tilespmem:s6+$0x14440] =	vst v2;
	v2 =	vld [tilespmem:s6+$0xA4C0]  }
0xc9: {  	s11 =	simm.s32 $0x0;
	s12 =	simm.s32 $0x400;
	[tilespmem:s6+$0x14450] =	vst v5;
	v5 =	vmul.f32 $8.000000000e+00, v4;
	v4 =	vld [tilespmem:s6+$0xA4D0]  }
.LBB2_7:
0xca: {  	s14 =	sshra.s32 s12, $0x2;
	s11 =	sadd.s32 $0x4, s11;
	[tilespmem:s6+$0x14470] =	vst v6;
	v3 =	vmul.f32 $8.000000000e+00, v3;
	v6 =	vld [tilespmem:s6+$0xA4E0]  }
0xcb: {  	v7 =	vld [tilespmem:s14+$0xA4F0];
	p2 =	slt.u32 s11, $0x7C;
	[tilespmem:s6+$0x14480] =	vst v5;
	v0 =	vmul.f32 $8.000000000e+00, v0  }
0xcc: {  	v5 =	vld [tilespmem:s14+$0xA400];
	[tilespmem:s6+$0x14490] =	vst v3;
	v1 =	vmul.f32 $8.000000000e+00, v1  }
0xcd: {  	v3 =	vld [tilespmem:s14+$0xA410];
	[tilespmem:s6+$0x144A0] =	vst v0;
	v0 =	vmul.f32 $8.000000000e+00, v2  }
0xce: {  	v2 =	vld [tilespmem:s14+$0xA420];
	[tilespmem:s6+$0x144B0] =	vst v1;
	v1 =	vmul.f32 $8.000000000e+00, v4  }
0xcf: {  	v4 =	vld [tilespmem:s14+$0xA430];
	[tilespmem:s6+$0x144C0] =	vst v0;
	v0 =	vmul.f32 $8.000000000e+00, v6  }
0xd0: {  	v6 =	vld [tilespmem:s14+$0xA440];
	v7 =	vmul.f32 $8.000000000e+00, v7;
	[tilespmem:s6+$0x144D0] =	vst v1  }
0xd1: {  	v1 =	vmul.f32 $8.000000000e+00, v5;
	v5 =	vld [tilespmem:s14+$0xA450];
	[tilespmem:s6+$0x144E0] =	vst v0;
	s6 =	smov.u32 s14  }
0xd2: {  	v0 =	vmul.f32 $8.000000000e+00, v3;
	v8 =	vld [tilespmem:s6+$0xA460];
	[tilespmem:s6+$0x144F0] =	vst v7  }
0xd3: {  	[tilespmem:s6+$0x14400] =	vst v1;
	v1 =	vmul.f32 $8.000000000e+00, v2;
	v2 =	vld [tilespmem:s6+$0xA470]  }
0xd4: {  	[tilespmem:s6+$0x14410] =	vst v0;
	v0 =	vmul.f32 $8.000000000e+00, v4;
	v4 =	vld [tilespmem:s6+$0xA480]  }
.Ltmp2:
0xd5: {  	[tilespmem:s6+$0x14420] =	vst v1;
	v1 =	vmul.f32 $8.000000000e+00, v6;
	v3 =	vld [tilespmem:s6+$0xA490];
	(pc) =	sbr.rel @p2 .LBB2_7-.Ltmp2, $4  }
0xd6: {  	[tilespmem:s6+$0x14430] =	vst v0;
	v5 =	vmul.f32 $8.000000000e+00, v5;
	v0 =	vld [tilespmem:s6+$0xA4A0]  }
0xd7: {  	[tilespmem:s6+$0x14440] =	vst v1;
	v7 =	vmul.f32 $8.000000000e+00, v8;
	v1 =	vld [tilespmem:s6+$0xA4B0]  }
0xd8: {  	[tilespmem:s6+$0x14450] =	vst v5;
	v6 =	vmul.f32 $8.000000000e+00, v2;
	v2 =	vld [tilespmem:s6+$0xA4C0]  }
0xd9: {  	s12 =	sadd.s32 $0x400, s12;
	[tilespmem:s6+$0x14460] =	vst v7;
	v5 =	vmul.f32 $8.000000000e+00, v4;
	v4 =	vld [tilespmem:s6+$0xA4D0]  }
0xda: {  	[tilespmem:s6+$0x14470] =	vst v6;
	v3 =	vmul.f32 $8.000000000e+00, v3;
	v6 =	vld [tilespmem:s6+$0xA4E0]  }
0xdb: {  	[tilespmem:s6+$0x14480] =	vst v5;
	v0 =	vmul.f32 $8.000000000e+00, v0  }
0xdc: {  	[tilespmem:s6+$0x14490] =	vst v3;
	v1 =	vmul.f32 $8.000000000e+00, v1  }
0xdd: {  	[tilespmem:s6+$0x144A0] =	vst v0;
	v0 =	vmul.f32 $8.000000000e+00, v2  }
0xde: {  	[tilespmem:s6+$0x144B0] =	vst v1;
	v1 =	vmul.f32 $8.000000000e+00, v4  }
0xdf: {  	[tilespmem:s6+$0x144C0] =	vst v0;
	v0 =	vmul.f32 $8.000000000e+00, v6  }
0xe0: {  	s11 =	simm.s32 @!p1 $0x80;
	[tilespmem:s6+$0x144D0] =	vst v1  }
0xe1: {  	s12 =	simm.s32 @!p1 $0xA400;
	s14 =	sadd.s32 s8, s2;
	[tilespmem:s6+$0x144E0] =	vst v0;
	s6 =	sadd.s32 @!p1 $0x380, s21  }
0xe2: {  	[tilespmem:s12], [sflag:$0x3] =	stream.indirect.gather @!p1 [hbm4b:s4+s11], $0x40, s6, s11, $0xb8;
	[tilespmem:$0x1A400] =	vst v63  }
0xe3: {  	s6 =	sshrl.u32 s14, $0x3  }
0xe4: {  	s6 =	sadd.s32 s5, s6  }
0xe5: {  	[hbm4b:s6+s23] =	stream.strided.scatter [tilespmem:s29], [sflag:$0x8], $0x2000, s13, s23, $0x38;
	[tilespmem:$0x1A400] =	vst v63  }
0xe6: {  	_ =	swait.ge [sflag:s30], $0x2000  }
0xe7: {  	[sflag:s30] =	ssyncset.done $0x0  }
0xe8: {  	s6 =	simm.s32 @!p0 $0x9;
	[sflag:s30] =	ssyncadd.s32 $0xFFFFE000  }
0xe9: {  	_ =	swait.ge @!p0 [sflag:s6], $0x2000  }
0xea: {  	[sflag:s6] =	ssyncset.done @!p0 $0x0  }
0xeb: {  	[sflag:s6] =	ssyncadd.s32 @!p0 $0xFFFFE000;
	s6 =	simm.s32 $0x0  }
0xec: {  	v0 =	vld [tilespmem:s6+$0xC4F0]  }
0xed: {  	v1 =	vld [tilespmem:s6+$0xC400]  }
0xee: {  	v2 =	vld [tilespmem:s6+$0xC410]  }
0xef: {  	v3 =	vld [tilespmem:s6+$0xC420]  }
0xf0: {  	v7 =	vld [tilespmem:s6+$0xC460]  }
0xf1: {  	v4 =	vld [tilespmem:s6+$0xC430]  }
0xf2: {  	v0 =	vmul.f32 $8.000000000e+00, v0  }
0xf3: {  	v5 =	vld [tilespmem:s6+$0xC440];
	v1 =	vmul.f32 $8.000000000e+00, v1  }
0xf4: {  	v6 =	vld [tilespmem:s6+$0xC450];
	v2 =	vmul.f32 $8.000000000e+00, v2;
	[tilespmem:s6+$0x164F0] =	vst v0  }
0xf5: {  	v8 =	vld [tilespmem:s6+$0xC470];
	v7 =	vmul.f32 $8.000000000e+00, v7;
	[tilespmem:s6+$0x16400] =	vst v1  }
0xf6: {  	v0 =	vmul.f32 $8.000000000e+00, v3;
	[tilespmem:s6+$0x16410] =	vst v2;
	v1 =	vmul.f32 $8.000000000e+00, v4;
	v4 =	vld [tilespmem:s6+$0xC480]  }
0xf7: {  	v3 =	vld [tilespmem:s6+$0xC490];
	[tilespmem:s6+$0x16460] =	vst v7  }
0xf8: {  	v2 =	vmul.f32 $8.000000000e+00, v5;
	[tilespmem:s6+$0x16420] =	vst v0;
	v0 =	vld [tilespmem:s6+$0xC4A0]  }
0xf9: {  	v5 =	vmul.f32 $8.000000000e+00, v6;
	[tilespmem:s6+$0x16430] =	vst v1;
	v1 =	vld [tilespmem:s6+$0xC4B0]  }
0xfa: {  	v6 =	vmul.f32 $8.000000000e+00, v8;
	[tilespmem:s6+$0x16440] =	vst v2;
	v2 =	vld [tilespmem:s6+$0xC4C0]  }
0xfb: {  	s11 =	simm.s32 $0x0;
	s12 =	simm.s32 $0x400;
	[tilespmem:s6+$0x16450] =	vst v5;
	v5 =	vmul.f32 $8.000000000e+00, v4;
	v4 =	vld [tilespmem:s6+$0xC4D0]  }
.LBB2_9:
0xfc: {  	s14 =	sshra.s32 s12, $0x2;
	s11 =	sadd.s32 $0x4, s11;
	[tilespmem:s6+$0x16470] =	vst v6;
	v3 =	vmul.f32 $8.000000000e+00, v3;
	v6 =	vld [tilespmem:s6+$0xC4E0]  }
0xfd: {  	v7 =	vld [tilespmem:s14+$0xC4F0];
	p2 =	slt.u32 s11, $0x7C;
	[tilespmem:s6+$0x16480] =	vst v5;
	v0 =	vmul.f32 $8.000000000e+00, v0  }
0xfe: {  	v5 =	vld [tilespmem:s14+$0xC400];
	[tilespmem:s6+$0x16490] =	vst v3;
	v1 =	vmul.f32 $8.000000000e+00, v1  }
0xff: {  	v3 =	vld [tilespmem:s14+$0xC410];
	[tilespmem:s6+$0x164A0] =	vst v0;
	v0 =	vmul.f32 $8.000000000e+00, v2  }
0x100: {  	v2 =	vld [tilespmem:s14+$0xC420];
	[tilespmem:s6+$0x164B0] =	vst v1;
	v1 =	vmul.f32 $8.000000000e+00, v4  }
0x101: {  	v4 =	vld [tilespmem:s14+$0xC430];
	[tilespmem:s6+$0x164C0] =	vst v0;
	v0 =	vmul.f32 $8.000000000e+00, v6  }
0x102: {  	v6 =	vld [tilespmem:s14+$0xC440];
	v7 =	vmul.f32 $8.000000000e+00, v7;
	[tilespmem:s6+$0x164D0] =	vst v1  }
0x103: {  	v1 =	vmul.f32 $8.000000000e+00, v5;
	v5 =	vld [tilespmem:s14+$0xC450];
	[tilespmem:s6+$0x164E0] =	vst v0;
	s6 =	smov.u32 s14  }
0x104: {  	v0 =	vmul.f32 $8.000000000e+00, v3;
	v8 =	vld [tilespmem:s6+$0xC460];
	[tilespmem:s6+$0x164F0] =	vst v7  }
0x105: {  	[tilespmem:s6+$0x16400] =	vst v1;
	v1 =	vmul.f32 $8.000000000e+00, v2;
	v2 =	vld [tilespmem:s6+$0xC470]  }
0x106: {  	[tilespmem:s6+$0x16410] =	vst v0;
	v0 =	vmul.f32 $8.000000000e+00, v4;
	v4 =	vld [tilespmem:s6+$0xC480]  }
.Ltmp3:
0x107: {  	[tilespmem:s6+$0x16420] =	vst v1;
	v1 =	vmul.f32 $8.000000000e+00, v6;
	v3 =	vld [tilespmem:s6+$0xC490];
	(pc) =	sbr.rel @p2 .LBB2_9-.Ltmp3, $4  }
0x108: {  	[tilespmem:s6+$0x16430] =	vst v0;
	v5 =	vmul.f32 $8.000000000e+00, v5;
	v0 =	vld [tilespmem:s6+$0xC4A0]  }
0x109: {  	[tilespmem:s6+$0x16440] =	vst v1;
	v7 =	vmul.f32 $8.000000000e+00, v8;
	v1 =	vld [tilespmem:s6+$0xC4B0]  }
0x10a: {  	[tilespmem:s6+$0x16450] =	vst v5;
	v6 =	vmul.f32 $8.000000000e+00, v2;
	v2 =	vld [tilespmem:s6+$0xC4C0]  }
0x10b: {  	s12 =	sadd.s32 $0x400, s12;
	[tilespmem:s6+$0x16460] =	vst v7;
	v5 =	vmul.f32 $8.000000000e+00, v4;
	v4 =	vld [tilespmem:s6+$0xC4D0]  }
0x10c: {  	[tilespmem:s6+$0x16470] =	vst v6;
	v3 =	vmul.f32 $8.000000000e+00, v3;
	v6 =	vld [tilespmem:s6+$0xC4E0]  }
0x10d: {  	[tilespmem:s6+$0x16480] =	vst v5;
	v0 =	vmul.f32 $8.000000000e+00, v0  }
0x10e: {  	[tilespmem:s6+$0x16490] =	vst v3;
	v1 =	vmul.f32 $8.000000000e+00, v1  }
0x10f: {  	[tilespmem:s6+$0x164A0] =	vst v0;
	v0 =	vmul.f32 $8.000000000e+00, v2  }
0x110: {  	[tilespmem:s6+$0x164B0] =	vst v1;
	v1 =	vmul.f32 $8.000000000e+00, v4  }
0x111: {  	[tilespmem:s6+$0x164C0] =	vst v0;
	v0 =	vmul.f32 $8.000000000e+00, v6  }
0x112: {  	s11 =	simm.s32 @!p1 $0x80;
	[tilespmem:s6+$0x164D0] =	vst v1  }
0x113: {  	s12 =	simm.s32 @!p1 $0xC400;
	s14 =	sadd.s32 s9, s2;
	[tilespmem:s6+$0x164E0] =	vst v0;
	s6 =	sadd.s32 @!p1 $0x400, s21  }
0x114: {  	[tilespmem:s12], [sflag:$0x4] =	stream.indirect.gather @!p1 [hbm4b:s4+s11], $0x40, s6, s11, $0xb8;
	[tilespmem:$0x1A400] =	vst v63  }
0x115: {  	s6 =	sshrl.u32 s14, $0x3  }
0x116: {  	s6 =	sadd.s32 s5, s6  }
0x117: {  	[hbm4b:s6+s23] =	stream.strided.scatter [tilespmem:s31], [sflag:$0x9], $0x2000, s13, s23, $0x38;
	[tilespmem:$0x1A400] =	vst v63  }
0x118: {  	_ =	swait.ge [sflag:s0], $0x2000  }
0x119: {  	[sflag:s0] =	ssyncset.done $0x0  }
0x11a: {  	s6 =	simm.s32 @!p0 $0xA;
	[sflag:s0] =	ssyncadd.s32 $0xFFFFE000  }
0x11b: {  	_ =	swait.ge @!p0 [sflag:s6], $0x2000  }
0x11c: {  	[sflag:s6] =	ssyncset.done @!p0 $0x0  }
0x11d: {  	[sflag:s6] =	ssyncadd.s32 @!p0 $0xFFFFE000;
	s6 =	simm.s32 $0x0  }
0x11e: {  	v0 =	vld [tilespmem:s6+$0xE4F0]  }
0x11f: {  	v1 =	vld [tilespmem:s6+$0xE400]  }
0x120: {  	v2 =	vld [tilespmem:s6+$0xE410]  }
0x121: {  	v3 =	vld [tilespmem:s6+$0xE420]  }
0x122: {  	v7 =	vld [tilespmem:s6+$0xE460]  }
0x123: {  	v4 =	vld [tilespmem:s6+$0xE430]  }
0x124: {  	v0 =	vmul.f32 $8.000000000e+00, v0  }
0x125: {  	v5 =	vld [tilespmem:s6+$0xE440];
	v1 =	vmul.f32 $8.000000000e+00, v1  }
0x126: {  	v6 =	vld [tilespmem:s6+$0xE450];
	v2 =	vmul.f32 $8.000000000e+00, v2;
	[tilespmem:s6+$0x184F0] =	vst v0  }
0x127: {  	v8 =	vld [tilespmem:s6+$0xE470];
	v7 =	vmul.f32 $8.000000000e+00, v7;
	[tilespmem:s6+$0x18400] =	vst v1  }
0x128: {  	v0 =	vmul.f32 $8.000000000e+00, v3;
	[tilespmem:s6+$0x18410] =	vst v2;
	v1 =	vmul.f32 $8.000000000e+00, v4;
	v4 =	vld [tilespmem:s6+$0xE480]  }
0x129: {  	v3 =	vld [tilespmem:s6+$0xE490];
	[tilespmem:s6+$0x18460] =	vst v7  }
0x12a: {  	v2 =	vmul.f32 $8.000000000e+00, v5;
	[tilespmem:s6+$0x18420] =	vst v0;
	v0 =	vld [tilespmem:s6+$0xE4A0]  }
0x12b: {  	v5 =	vmul.f32 $8.000000000e+00, v6;
	[tilespmem:s6+$0x18430] =	vst v1;
	v1 =	vld [tilespmem:s6+$0xE4B0]  }
0x12c: {  	v6 =	vmul.f32 $8.000000000e+00, v8;
	[tilespmem:s6+$0x18440] =	vst v2;
	v2 =	vld [tilespmem:s6+$0xE4C0]  }
0x12d: {  	s11 =	simm.s32 $0x0;
	s12 =	simm.s32 $0x400;
	[tilespmem:s6+$0x18450] =	vst v5;
	v5 =	vmul.f32 $8.000000000e+00, v4;
	v4 =	vld [tilespmem:s6+$0xE4D0]  }
.LBB2_11:
0x12e: {  	s14 =	sshra.s32 s12, $0x2;
	s11 =	sadd.s32 $0x4, s11;
	[tilespmem:s6+$0x18470] =	vst v6;
	v3 =	vmul.f32 $8.000000000e+00, v3;
	v6 =	vld [tilespmem:s6+$0xE4E0]  }
0x12f: {  	v7 =	vld [tilespmem:s14+$0xE4F0];
	p0 =	slt.u32 s11, $0x7C;
	[tilespmem:s6+$0x18480] =	vst v5;
	v0 =	vmul.f32 $8.000000000e+00, v0  }
0x130: {  	v5 =	vld [tilespmem:s14+$0xE400];
	[tilespmem:s6+$0x18490] =	vst v3;
	v1 =	vmul.f32 $8.000000000e+00, v1  }
0x131: {  	v3 =	vld [tilespmem:s14+$0xE410];
	[tilespmem:s6+$0x184A0] =	vst v0;
	v0 =	vmul.f32 $8.000000000e+00, v2  }
0x132: {  	v2 =	vld [tilespmem:s14+$0xE420];
	[tilespmem:s6+$0x184B0] =	vst v1;
	v1 =	vmul.f32 $8.000000000e+00, v4  }
0x133: {  	v4 =	vld [tilespmem:s14+$0xE430];
	[tilespmem:s6+$0x184C0] =	vst v0;
	v0 =	vmul.f32 $8.000000000e+00, v6  }
0x134: {  	v6 =	vld [tilespmem:s14+$0xE440];
	v7 =	vmul.f32 $8.000000000e+00, v7;
	[tilespmem:s6+$0x184D0] =	vst v1  }
0x135: {  	v1 =	vmul.f32 $8.000000000e+00, v5;
	v5 =	vld [tilespmem:s14+$0xE450];
	[tilespmem:s6+$0x184E0] =	vst v0;
	s6 =	smov.u32 s14  }
0x136: {  	v0 =	vmul.f32 $8.000000000e+00, v3;
	v8 =	vld [tilespmem:s6+$0xE460];
	[tilespmem:s6+$0x184F0] =	vst v7  }
0x137: {  	[tilespmem:s6+$0x18400] =	vst v1;
	v1 =	vmul.f32 $8.000000000e+00, v2;
	v2 =	vld [tilespmem:s6+$0xE470]  }
0x138: {  	[tilespmem:s6+$0x18410] =	vst v0;
	v0 =	vmul.f32 $8.000000000e+00, v4;
	v4 =	vld [tilespmem:s6+$0xE480]  }
.Ltmp4:
0x139: {  	[tilespmem:s6+$0x18420] =	vst v1;
	v1 =	vmul.f32 $8.000000000e+00, v6;
	v3 =	vld [tilespmem:s6+$0xE490];
	(pc) =	sbr.rel @p0 .LBB2_11-.Ltmp4, $4  }
0x13a: {  	[tilespmem:s6+$0x18430] =	vst v0;
	v5 =	vmul.f32 $8.000000000e+00, v5;
	v0 =	vld [tilespmem:s6+$0xE4A0]  }
0x13b: {  	[tilespmem:s6+$0x18440] =	vst v1;
	v7 =	vmul.f32 $8.000000000e+00, v8;
	v1 =	vld [tilespmem:s6+$0xE4B0]  }
0x13c: {  	[tilespmem:s6+$0x18450] =	vst v5;
	v6 =	vmul.f32 $8.000000000e+00, v2;
	v2 =	vld [tilespmem:s6+$0xE4C0]  }
0x13d: {  	s12 =	sadd.s32 $0x400, s12;
	[tilespmem:s6+$0x18460] =	vst v7;
	v5 =	vmul.f32 $8.000000000e+00, v4;
	v4 =	vld [tilespmem:s6+$0xE4D0]  }
0x13e: {  	[tilespmem:s6+$0x18470] =	vst v6;
	v3 =	vmul.f32 $8.000000000e+00, v3;
	v60 =	vld [tilespmem:s6+$0xE4E0]  }
0x13f: {  	[tilespmem:s6+$0x18480] =	vst v5;
	v0 =	vmul.f32 $8.000000000e+00, v0  }
0x140: {  	[tilespmem:s6+$0x18490] =	vst v3;
	v1 =	vmul.f32 $8.000000000e+00, v1  }
0x141: {  	[tilespmem:s6+$0x184A0] =	vst v0;
	v61 =	vmul.f32 $8.000000000e+00, v2  }
0x142: {  	s20 =	sadd.s32 $0x1, s20;
	[tilespmem:s6+$0x184B0] =	vst v1;
	v62 =	vmul.f32 $8.000000000e+00, v4  }
0x143: {  	p0 =	sne.s32 s20, $0x28;
	[tilespmem:s6+$0x184C0] =	vst v61;
	v63 =	vmul.f32 $8.000000000e+00, v60  }
.Ltmp5:
0x144: {  	s11 =	simm.s32 @!p1 $0x80;
	s2 =	sadd.s32 s10, s2;
	[tilespmem:s6+$0x184D0] =	vst v62;
	(pc) =	sbr.rel @p0 .LBB2_2-.Ltmp5, $4  }
0x145: {  	s12 =	simm.s32 @!p1 $0xE400;
	s2 =	sshrl.u32 s2, $0x3;
	[tilespmem:s6+$0x184E0] =	vst v63;
	s6 =	sadd.s32 @!p1 $0x480, s21  }
0x146: {  	[tilespmem:s12], [sflag:$0x5] =	stream.indirect.gather @!p1 [hbm4b:s4+s11], $0x40, s6, s11, $0xb8;
	[tilespmem:$0x1A400] =	vst v63  }
0x147: {  	s2 =	sadd.s32 s5, s2  }
0x148: {  	[hbm4b:s2+s23] =	stream.strided.scatter [tilespmem:s1], [sflag:$0xA], $0x2000, s13, s23, $0x38;
	[tilespmem:$0x1A400] =	vst v63  }
0x149: {  	s2 =	simm.s32 $0x6  }
0x14a: {  	_ =	swait.ge [sflag:s2], $0x2000  }
0x14b: {  	[sflag:s2] =	ssyncset.done $0x0  }
0x14c: {  	s20 =	simm.s32 $0x7;
	[sflag:s2] =	ssyncadd.s32 $0xFFFFE000  }
0x14d: {  	_ =	swait.ge [sflag:s20], $0x2000  }
0x14e: {  	[sflag:s20] =	ssyncset.done $0x0  }
0x14f: {  	[sflag:s20] =	ssyncadd.s32 $0xFFFFE000  }
0x150: {  	_ =	swait.ge [sflag:s16], $0x2000  }
0x151: {  	[sflag:s16] =	ssyncset.done $0x0  }
0x152: {  	[sflag:s16] =	ssyncadd.s32 $0xFFFFE000  }
0x153: {  	_ =	swait.ge [sflag:s17], $0x2000  }
0x154: {  	[sflag:s17] =	ssyncset.done $0x0  }
0x155: {  	[sflag:s17] =	ssyncadd.s32 $0xFFFFE000  }
0x156: {  	_ =	swait.ge [sflag:s18], $0x2000  }
0x157: {  	s19 =	sadd.s32 $0x1, s19;
	s21 =	rddreg [dreg:$0x4]  }
0x158: {  	p0 =	sne.s32 s19, s21  }
.Ltmp6:
0x159: {  	_ = 	snop;
	(pc) =	sbr.rel @p0 .LBB2_1-.Ltmp6, $3  }
0x15a: {  	_ =	sdelay $0x1  }
0x15b: {  	[sflag:s18] =	ssyncset.done $0x0  }
0x15c: {  	[sflag:s18] =	ssyncadd.s32 $0xFFFFE000  }
0x15d: {  	_ =	sfence.sel $0x180000  }
0x15e: {  	[bflag:$0x0] =	sbarrier.arrive $0xFFFF  }
0x15f: {  	_ =	strace $0x90000047  }
0x160: {  	s0 =	stileid.u32;
	[bflag:$0x2] =	sbarrier.arrive $0xFFFF  }
0x161: {  	p0 =	sne.s32 s0, $0x0;
	s0 =	rddreg [dreg:$0x2]  }
0x162: {  	s0 =	sadd.s32 @!p0 $0x100000, s0  }
0x163: {  	[sflag:s0] =	ssyncadd.tile.s32 @!p0 $0x1;
	_ =	shalt  }
.Lfunc_end2:
_tile_overlayer_lowered:
.L_overlay_start_2:
0x164: {  	(tag) =	ssettag $0x2  }
0x165: {  	s0 =	rddreg [dreg:$0x0];
	s2 =	stileid.u32  }
0x166: {  	s1 =	rddreg [dreg:$0x1];
	p0 =	sne.s32 s2, $0x0  }
0x167: {  	s3 =	rddreg [dreg:$0x2];
	[bflag:$0x3] =	sbarrier.arrive $0xFFFF;
	s2 =	simm.s32 @!p0 $0x1C0B  }
0x168: {  	[timem:s3], [sflag:s2] =	dma.local @!p0 [hbm:s0], s1  }
0x169: {  	s0 =	simm.s32 @!p0 $0xB  }
0x16a: {  	_ =	swait.ge @!p0 [sflag:s0], s1  }
0x16b: {  	s1 =	ssub.s32 @!p0 $0x0, s1;
	[sflag:s0] =	ssyncset.done @!p0 $0x0  }
0x16c: {  	[sflag:s0] =	ssyncadd.s32 @!p0 s1  }
0x16d: {  	[bflag:$0x3] =	sbarrier.arrive $0xFFFF  }
0x16e: {  	_ =	shalt  }

// kernel: sparse-core-data-format-call.cloned.1.call-start
scs
called_computation_lowered:
.L_overlay_start_0:
0x0: {  	s2 =	sld [smem:$0x3FD9]  }
0x1: {  	s3 =	sld [smem:$0x3FFE];
	_ =	sdelay $0x1  }
0x2: {  	s1 =	srdreg.scid  }
0x3: {  	s0 =	sand.u32 $0x1, s1  }
0x4: {  	s18 =	sshll.u32 s0, $0xA;
	s2 =	sadd.s32 s3, s2  }
0x5: {  	s2 =	sadd.s32 s2, s18  }
0x6: {  	[smem:$0x3FC6] =	sst s2  }
0x7: {  	_ = 	snop  }
0x8: {  	s2 =	sld [smem:$0x3FD0];
	(tm) =	ssettm $0x1  }
0x9: {  	s19 =	sld [smem:$0x3FFB];
	_ =	sdelay $0x3  }
0xa: {  	_ =	strace s19  }
0xb: {  	s3 =	sld [smem:$0x3FFC];
	_ =	sdelay $0x3  }
0xc: {  	_ =	strace s3  }
0xd: {  	s3 =	sld [smem:$0x3FFD];
	_ =	sdelay $0x3  }
0xe: {  	_ =	strace s3  }
0xf: {  	_ =	strace $0x8FFFFFFF  }
0x10: {  	s20 =	sld [smem:$0x3FDB];
	_ =	sdelay $0x1  }
0x11: {  	s4 =	simm.s32 $_scs_section_size  }
0x12: {  	s5 =	simm.s32 $_size__tile_overlayer_lowered;
	s6 =	simm.s32 $_tile_overlayer_lowered  }
0x13: {  	s23 =	simm.s32 $0x1BFF;
	s22 =	sshll.u32 s6, $0x1;
	s3 =	sadd.s32 s4, s20  }
0x14: {  	s7 =	simm.s32 $0x0;
	s21 =	sshll.u32 s5, $0x1;
	s5 =	sadd.s32 s22, s3  }
0x15: {  	[timem:s7], [sflag:s23] =	dma.local [hbm:s5], s21  }
0x16: {  	_ =	swait.ge [sflag:s23], s21  }
0x17: {  	s4 =	ssub.s32 $0x0, s21;
	[sflag:s23] =	ssyncset.done $0x0  }
0x18: {  	[sflag:s23] =	ssyncadd.s32 s4;
	_ =	sdelay $0x1  }
0x19: {  	s24 =	simm.s32 $0x1B8B  }
0x1a: {  	_ =	swait.ge [sflag:s24], $0x1  }
0x1b: {  	[sflag:s24] =	ssyncset.done $0x0  }
0x1c: {  	s26 =	simm.s32 $0x1B8E;
	s25 =	sld [smem:$0x3FFE];
	[sflag:s24] =	ssyncadd.s32 $0xFFFFFFFF  }
0x1d: {  	s27 =	simm.s32 $execute0_lowered;
	[smem:$0x3FD2] =	sst s26  }
0x1e: {  	s5 =	sshll.u32 s27, $0x1;
	_ =	strace $0x80000049;
	[dreg:$0x1] =	wrdreg $0xFFFFFFFF  }
0x1f: {  	s28 =	simm.s32 $_size_execute0_lowered;
	s3 =	sadd.s32 s3, s5;
	[dreg:$0x0] =	wrdreg $0x0  }
0x20: {  	s5 =	sshll.u32 s28, $0x1;
	[dreg:$0x2] =	wrdreg s3  }
0x21: {  	[dreg:$0x3] =	wrdreg s5  }
0x22: {  	[dreg:$0x4] =	wrdreg $0xC0  }
0x23: {  	_ =	task [dreg:s7], $0x5FFFF  }
0x24: {  	[dreg:$0x1] =	wrdreg $0xFFFFFFFF  }
0x25: {  	[dreg:$0x0] =	wrdreg $0x60  }
0x26: {  	[dreg:$0x2] =	wrdreg s25  }
0x27: {  	[dreg:$0x3] =	wrdreg s2  }
0x28: {  	[dreg:$0x4] =	wrdreg $0x9  }
0x29: {  	_ =	task.clear_ibuf [dreg:s7], $0x5FFFF;
	_ =	strace $0x90000049  }
0x2a: {  	s29 =	simm.s32 $0x9;
	_ =	strace $0x8000004B  }
0x2b: {  	_ =	swait.ge [sflag:s29], $0x1  }
0x2c: {  	[sflag:s29] =	ssyncadd.s32 $0xFFFFFFFF  }
0x2d: {  	_ =	strace $0x9000004B  }
0x2e: {  	_ =	sfence  }
0x2f: {  	s30 =	sld [smem:$0x0];
	_ =	sdelay $0x2  }
0x30: {  	s31 =	sshll.u32 s1, $0xD;
	s1 =	sshrl.u32 s1, $0x2  }
0x31: {  	s3 =	sand.u32 $0x4000, s31;
	s1 =	sadd.s32 s1, s30  }
0x32: {  	s0 =	sor.u32 s3, s0;
	s1 =	sshll.u32 s1, $0x11  }
0x33: {  	s0 =	sor.u32 s1, s0  }
0x34: {  	s0 =	sadd.s32 $0x8F2B, s0  }
0x35: {  	[sflag:s0] =	ssyncadd.remote.s32 $0x1  }
0x36: {  	_ =	sfence.sel $0xFFFF  }
0x37: {  	[dreg:$0x0] =	wrdreg $0xFFFFFFFF;
	(pc) =	sbr.abs _section_cstart, $3  }
0x38: {  	[dreg:$0x1] =	wrdreg $0xFFFFFFFF  }
0x39: {  	_ =	task.clear_ibuf [dreg:s7], $0x2FFFF;
	_ =	strace $0x9FFFFFFF  }
0x3a: {  	(tm) =	ssettm $0x7FFFFFFF  }
0x3b: {  	_ =	shalt  }
tec
execute0_lowered:
.L_overlay_start_1:
0x0: {  	(tag) =	ssettag $0x1  }
0x1: {  	s0 =	srdreg.scid  }
0x2: {  	s1 =	sshll.u32 s0, $0x4  }
0x3: {  	s0 =	stileid.u32;
	s1 =	sand.u32 $0x10, s1  }
0x4: {  	s1 =	sor.u32 s0, s1  }
0x5: {  	s6 =	rddreg [dreg:$0x0];
	s4 =	simm.s32 $0x1;
	s2 =	sshll.u32 s1, $0x7  }
0x6: {  	s7 =	simm.s32 $0x2;
	s12 =	simm.s32 $0x0;
	s1 =	ssub.s32 $0x1000, s2  }
0x7: {  	s8 =	simm.s32 $0x8000;
	s13 =	simm.s32 $0x0;
	s3 =	sand.u32 $0xF80, s1  }
0x8: {  	s9 =	simm.s32 $0x0;
	s5 =	sshrl.u32 s1, $0xC;
	p0 =	sne.s32 s3, $0x0  }
.Ltmp0:
0x9: {  	s1 =	rddreg [dreg:$0x2];
	s4 =	simm.s32 @!p0 $0x0;
	(pc) =	sbr.rel .LBB1_1-.Ltmp0, $4  }
0xa: {  	s11 =	simm.s32 $0x0;
	s3 =	rddreg [dreg:$0x1];
	s5 =	sadd.s32 s4, s5  }
0xb: {  	_ =	strace $0x8000004A;
	s4 =	simm.s32 $0x1;
	s5 =	smul.u32 $0xC8, s5  }
0xc: {  	s6 =	sadd.s32 $0xA00, s6;
	s10 =	smov.u32 s2;
	[sflag:s4] =	ssyncpa.u1 $0x0  }
0xd: {  	p0 =	por $0x0, $0x0;
	[sflag:s7] =	ssyncpa.u1 $0x0;
	s7 =	sor.u32 $0x1, s5  }
.LBB1_4:
0xe: {  	s16 =	sshll.u32 s13, $0x3;
	s17 =	sand.u32 $0x78, s13  }
0xf: {  	s30 =	sand.u32 $0x7E00, s13;
	s12 =	sshll.u32 s12, $0xF;
	s16 =	sand.u32 $0xC00, s16  }
0x10: {  	[tilespmem:s15+$0x810 ss:$0x81] =	vst.msk $0xffff, v2;
	s31 =	sand.u32 $0x7, s13;
	s16 =	sor.u32 s17, s16;
	s17 =	sadd.s32 s3, s30  }
0x11: {  	[tilespmem:s15+$0x1020 ss:$0x81] =	vst.msk $0xffff, v0;
	s13 =	sshll.u32 s31, $0x12;
	s12 =	sadd.s32 s12, s17;
	s16 =	sshrl.u32 s16, $0x3  }
0x12: {  	[tilespmem:s15+$0x0 ss:$0x81] =	vst.msk $0xffff, v1;
	s13 =	sor.u32 $0x400, s13;
	s12 =	sadd.s32 s16, s12  }
0x13: {  	[hbm4b:s12+s13] =	stream.strided.scatter [tilespmem:s14], [sflag:$0x2], $0x2000, s8, s13, $0x20;
	[tilespmem:$0x8080] =	vst v63  }
.LBB1_5:
0x14: {  	s14 =	sadd.s32 $0x1, s9  }
0x15: {  	s12 =	sadd.s32 $0x1000, s10;
	s16 =	smov.u32 s10;
	p2 =	sgt.s32 s14, $0xC7  }
0x16: {  	s16 =	smov.u32 @p2 s12  }
0x17: {  	s14 =	simm.s32 @p2 $0x0;
	p2 =	sgt.s32 s16, $0xFFF  }
0x18: {  	s16 =	smov.u32 @p2 s2;
	p2 =	sne.s32 s11, s7  }
.Ltmp1:
0x19: {  	p1 =	slt.u32 s11, $0x2;
	(pc) =	sbr.rel @!p2 .LBB1_6-.Ltmp1, $4  }
0x1a: {  	s15 =	simm.s32 @!p1 $0x2  }
0x1b: {  	s13 =	smov.u32 s10;
	p0 =	por !p0, !p0;
	_ =	swait.ge @!p1 [sflag:s15], $0x2000  }
0x1c: {  	s12 =	smov.u32 s9;
	[sflag:s15] =	ssyncset.done @!p1 $0x0;
	s9 =	smov.u32 s14  }
0x1d: {  	s11 =	sadd.s32 $0x1, s11;
	[sflag:s15] =	ssyncadd.s32 @!p1 $0xFFFFE000;
	s10 =	smov.u32 s16  }
.LBB1_1:
0x1e: {  	p1 =	sge.u32 s11, s5  }
0x1f: {  	s14 =	sand.u32 @!p1 $0x1FFFFFF, s9  }
0x20: {  	s15 =	smulhi.u32 @!p1 $0x147AE15, s14;
	_ =	sdelay $0x1  }
0x21: {  	s15 =	smul.u32 @!p1 $0xC8, s15  }
0x22: {  	s16 =	sxor.u32 @!p1 $0xFFFFFFFF, s11;
	s17 =	smul.u32 @!p1 $0xC80, s10  }
0x23: {  	s31 =	sadd.s32 $0xFFFFFFFF, s11;
	s16 =	sshll.u32 @!p1 s16, $0xD;
	s14 =	ssub.s32 @!p1 s14, s15  }
0x24: {  	s15 =	sand.u32 @!p1 $0x2000, s16;
	s16 =	sadd.s32 @!p1 s6, s17;
	s14 =	sshll.u32 @!p1 s14, $0x4  }
0x25: {  	s17 =	simm.s32 @!p1 $0x6400;
	s14 =	sadd.s32 @!p1 s14, s16;
	s16 =	simm.s32 @!p1 $0x40  }
0x26: {  	[tilespmem:s15], [sflag:$0x1] =	stream.strided.gather @!p1 [hbm4b:s14+s16], $0x2000, s17, s16, $0x38;
	[tilespmem:$0x8080] =	vst v63  }
0x27: {  	p1 =	sge.u32 s31, s5  }
.Ltmp2:
0x28: {  	_ = 	snop;
	(pc) =	sbr.rel @p1 .LBB1_5-.Ltmp2, $1  }
0x29: {  	_ =	sdelay $0x3  }
0x2a: {  	s14 =	simm.s32 $0x1  }
0x2b: {  	_ =	swait.ge [sflag:s4], $0x2000;
	s14 =	simm.s32 @!p0 $0x0  }
0x2c: {  	[sflag:s4] =	ssyncset.done $0x0;
	s15 =	sshll.u32 s14, $0xD  }
0x2d: {  	[sflag:s4] =	ssyncadd.s32 $0xFFFFE000;
	s18 =	sor.u32 $0x20, s15  }
0x2e: {  	s14 =	smul.u32 $0x8100, s14;
	v3 =	vld [tilespmem:s18+$0x10]  }
0x2f: {  	s30 =	sand.u32 $0x1, s11;
	v2 =	vld [tilespmem:s18+$0xFFFFFFF0]  }
0x30: {  	s15 =	smul.u32 $0x8100, s30;
	s14 =	sshrl.u32 s14, $0x2;
	v0 =	vld [tilespmem:s18+$0x0]  }
0x31: {  	v1 =	vld [tilespmem:s18+$0xFFFFFFE0];
	s16 =	sor.u32 $0x4000, s14  }
0x32: {  	s31 =	sshrl.u32 s15, $0x2;
	s15 =	sadd.s32 $0x0, s16  }
0x33: {  	s17 =	simm.s32 $0x4;
	s18 =	sadd.s32 $0x40, s18;
	s14 =	sor.u32 $0x4000, s31;
	[tilespmem:s15+$0x1830 ss:$0x81] =	vst.msk $0xffff, v3  }
.LBB1_3:
0x34: {  	v3 =	vld [tilespmem:s18+$0x10];
	p1 =	sne.s32 s17, $0x1FC;
	[tilespmem:s15+$0x810 ss:$0x81] =	vst.msk $0xffff, v2;
	s19 =	smov.u32 s17;
	s17 =	sadd.s32 $0x4, s17  }
.Ltmp3:
0x35: {  	v2 =	vld [tilespmem:s18+$0xFFFFFFF0];
	[tilespmem:s15+$0x1020 ss:$0x81] =	vst.msk $0xffff, v0;
	(pc) =	sbr.rel @p1 .LBB1_3-.Ltmp3, $4  }
0x36: {  	v0 =	vld [tilespmem:s18+$0x0];
	[tilespmem:s15+$0x0 ss:$0x81] =	vst.msk $0xffff, v1  }
0x37: {  	s15 =	sshra.s32 s19, $0x2;
	v1 =	vld [tilespmem:s18+$0xFFFFFFE0]  }
0x38: {  	s15 =	sadd.s32 s15, s16  }
0x39: {  	s18 =	sadd.s32 $0x40, s18;
	[tilespmem:s15+$0x1830 ss:$0x81] =	vst.msk $0xffff, v3  }
.Ltmp4:
0x3a: {  	_ = 	snop;
	(pc) =	sbr.rel .LBB1_4-.Ltmp4, $1  }
0x3b: {  	_ =	sdelay $0x3  }
.LBB1_6:
0x3c: {  	_ =	sfence.sel $0x180000  }
0x3d: {  	s2 =	simm.s32 $0x1;
	[bflag:$0x0] =	sbarrier.arrive $0xFFFF  }
0x3e: {  	s31 =	simm.s32 $0x2;
	[sflag:s2] =	ssyncpa.u1 $0x1  }
0x3f: {  	[sflag:s31] =	ssyncpa.u1 $0x1  }
0x40: {  	p0 =	sne.s32 s0, $0x0;
	_ =	strace $0x9000004A  }
0x41: {  	s0 =	sadd.s32 @!p0 $0x100000, s1;
	[bflag:$0x2] =	sbarrier.arrive $0xFFFF  }
0x42: {  	[sflag:s0] =	ssyncadd.tile.s32 @!p0 $0x1;
	_ =	shalt  }
.Lfunc_end1:
_tile_overlayer_lowered:
.L_overlay_start_2:
0x43: {  	(tag) =	ssettag $0x2  }
0x44: {  	s0 =	rddreg [dreg:$0x0];
	s2 =	stileid.u32  }
0x45: {  	s1 =	rddreg [dreg:$0x1];
	p0 =	sne.s32 s2, $0x0  }
0x46: {  	s3 =	rddreg [dreg:$0x2];
	[bflag:$0x3] =	sbarrier.arrive $0xFFFF;
	s2 =	simm.s32 @!p0 $0x1C01  }
0x47: {  	[timem:s3], [sflag:s2] =	dma.local @!p0 [hbm:s0], s1  }
0x48: {  	s0 =	simm.s32 @!p0 $0x1  }
0x49: {  	_ =	swait.ge @!p0 [sflag:s0], s1  }
0x4a: {  	s1 =	ssub.s32 @!p0 $0x0, s1;
	[sflag:s0] =	ssyncset.done @!p0 $0x0  }
0x4b: {  	[sflag:s0] =	ssyncadd.s32 @!p0 s1  }
0x4c: {  	[bflag:$0x3] =	sbarrier.arrive $0xFFFF  }
0x4d: {  	_ =	shalt  }

</sc_bundles>
